<compile_context>
chip_gen: v7x
topology: tpu7x:2x2x1
jax: 0.10.2.dev20260603
libtpu: 0.0.44.dev20260713+nightly
codegen_flags: <defaults>
</compile_context>

<pallas_src>
import functools

import jax
import jax.numpy as jnp
from jax import lax
from jax.experimental import pallas as pl
from jax.experimental.pallas import tpu as pltpu
from jax.experimental.pallas import tpu_sc as plsc

N_NODES = 10000
D_IN = 256
D_HID = 512
N_SC = 2
N_TILES = 16
CHUNK = 128
N_CHUNKS = 79
EDGES_PER_TILE = CHUNK * N_CHUNKS
E_PAD = EDGES_PER_TILE * N_TILES
ACC_ROWS = 10240
ROWS_PER_TILE = ACC_ROWS // N_TILES
HALF = D_IN // 2


def _sc_aggregate(x2, src3, dst3):

    @functools.partial(
        pl.kernel,
        mesh=plsc.VectorSubcoreMesh(core_axis_name="c", subcore_axis_name="s"),
        out_type=jax.ShapeDtypeStruct((N_SC, ACC_ROWS, HALF), jnp.float32),
        scratch_types=[
            pltpu.VMEM((40, CHUNK), jnp.int32),
            pltpu.VMEM((40, CHUNK), jnp.int32),
            pltpu.VMEM((CHUNK, HALF), jnp.float32),
            pltpu.VMEM((CHUNK, HALF), jnp.float32),
            pltpu.VMEM_SHARED((ACC_ROWS, HALF), jnp.float32),
            pltpu.SemaphoreType.DMA,
            pltpu.SemaphoreType.DMA,
        ],
    )
    def k(x2_hbm, src_hbm, dst_hbm, out_hbm, src_v, dst_v, rows0, rows1,
          acc_sh, sem0, sem1):
        c = lax.axis_index("c")
        s = lax.axis_index("s")

        pltpu.async_copy(src_hbm.at[c, s, pl.ds(0, 40)], src_v, sem0)
        pltpu.async_copy(dst_hbm.at[s, pl.ds(0, 40)], dst_v, sem1)

        def _zrow(i, _):
            def _zlane(l, _):
                rows0[i, pl.ds(l * 16, 16)] = jnp.zeros((16,), jnp.float32)
                return 0
            return lax.fori_loop(0, HALF // 16, _zlane, 0)

        lax.fori_loop(0, CHUNK, _zrow, 0)
        for kk in range(ROWS_PER_TILE // CHUNK):
            pltpu.sync_copy(
                rows0, acc_sh.at[pl.ds(s * ROWS_PER_TILE + kk * CHUNK, CHUNK)])
        pltpu.make_async_copy(src_hbm.at[c, s, pl.ds(0, 40)], src_v, sem0).wait()
        pltpu.make_async_copy(dst_hbm.at[s, pl.ds(0, 40)], dst_v, sem1).wait()
        plsc.subcore_barrier()

        for ph, nch in ((0, 40), (1, 39)):
            if ph > 0:
                pltpu.sync_copy(src_hbm.at[c, s, pl.ds(ph * 40, nch)],
                                src_v.at[pl.ds(0, nch)])
                pltpu.sync_copy(dst_hbm.at[s, pl.ds(ph * 40, nch)],
                                dst_v.at[pl.ds(0, nch)])
            pltpu.async_copy(x2_hbm.at[src_v.at[0]], rows0, sem0)
            npairs = nch // 2

            def _step(jj, _):
                j0 = 2 * jj
                j1 = j0 + 1
                pltpu.async_copy(x2_hbm.at[src_v.at[j1]], rows1, sem1)
                pltpu.make_async_copy(
                    x2_hbm.at[src_v.at[j0]], rows0, sem0).wait()
                pltpu.sync_copy(rows0, acc_sh.at[dst_v.at[j0]], add=True)

                @pl.when(j0 + 2 < nch)
                def _():
                    pltpu.async_copy(x2_hbm.at[src_v.at[j0 + 2]], rows0, sem0)

                pltpu.make_async_copy(
                    x2_hbm.at[src_v.at[j1]], rows1, sem1).wait()
                pltpu.sync_copy(rows1, acc_sh.at[dst_v.at[j1]], add=True)
                return 0

            lax.fori_loop(0, npairs, _step, 0)
            if nch % 2 == 1:
                j_last = nch - 1
                pltpu.make_async_copy(
                    x2_hbm.at[src_v.at[j_last]], rows0, sem0).wait()
                pltpu.sync_copy(rows0, acc_sh.at[dst_v.at[j_last]], add=True)
        plsc.subcore_barrier()
        for kk in range(ROWS_PER_TILE // CHUNK):
            off = s * ROWS_PER_TILE + kk * CHUNK
            pltpu.sync_copy(acc_sh.at[pl.ds(off, CHUNK)],
                            out_hbm.at[c, pl.ds(off, CHUNK)])

    return k(x2, src3, dst3)


_HIGH = jax.lax.Precision.DEFAULT


def _tc_layer1(epsv, x, aggr, W1, b1):
    blk = 5000

    def body(eps_ref, x_ref, aL_ref, aR_ref, w_ref, b_ref, y_ref, s_ref, q_ref):
        i = pl.program_id(0)
        e = eps_ref[0, 0]
        h = (1.0 + e) * x_ref[...] + jnp.concatenate(
            [aL_ref[0], aR_ref[0]], axis=1)
        y = jnp.dot(h, w_ref[...], preferred_element_type=jnp.float32,
                    precision=_HIGH) + b_ref[...]
        y_ref[...] = y.astype(jnp.bfloat16)

        @pl.when(i == 0)
        def _():
            s_ref[...] = jnp.zeros_like(s_ref)
            q_ref[...] = jnp.zeros_like(q_ref)

        s_ref[...] += jnp.sum(y, axis=0, keepdims=True)
        q_ref[...] += jnp.sum(y * y, axis=0, keepdims=True)

    return pl.pallas_call(
        body,
        grid=(N_NODES // blk,),
        in_specs=[
            pl.BlockSpec((1, 1), lambda i: (0, 0), memory_space=pltpu.SMEM),
            pl.BlockSpec((blk, D_IN), lambda i: (i, 0)),
            pl.BlockSpec((1, blk, HALF), lambda i: (0, i, 0)),
            pl.BlockSpec((1, blk, HALF), lambda i: (1, i, 0)),
            pl.BlockSpec((D_IN, D_HID), lambda i: (0, 0)),
            pl.BlockSpec((1, D_HID), lambda i: (0, 0)),
        ],
        out_specs=[
            pl.BlockSpec((blk, D_HID), lambda i: (i, 0)),
            pl.BlockSpec((1, D_HID), lambda i: (0, 0)),
            pl.BlockSpec((1, D_HID), lambda i: (0, 0)),
        ],
        out_shape=[
            jax.ShapeDtypeStruct((N_NODES, D_HID), jnp.bfloat16),
            jax.ShapeDtypeStruct((1, D_HID), jnp.float32),
            jax.ShapeDtypeStruct((1, D_HID), jnp.float32),
        ],
    )(epsv, x, aggr, aggr, W1, b1)


def _bn_affine(s, q, g, be):
    m = s * (1.0 / N_NODES)
    v = q * (1.0 / N_NODES) - m * m
    a = g * jax.lax.rsqrt(v + 1e-5)
    return a, be - m * a


def _tc_layer2(y1, s1, q1, g1, be1, W2, b2):
    blk = 5000

    def body(y_ref, s1_ref, q1_ref, g_ref, be_ref, w_ref, b_ref,
             y2_ref, s_ref, q_ref):
        i = pl.program_id(0)
        a, b0 = _bn_affine(s1_ref[...], q1_ref[...], g_ref[...], be_ref[...])
        z = jnp.maximum(y_ref[...].astype(jnp.float32) * a + b0, 0.0)
        y2 = jnp.dot(z, w_ref[...], preferred_element_type=jnp.float32,
                     precision=_HIGH) + b_ref[...]
        y2_ref[...] = y2.astype(jnp.bfloat16)

        @pl.when(i == 0)
        def _():
            s_ref[...] = jnp.zeros_like(s_ref)
            q_ref[...] = jnp.zeros_like(q_ref)

        s_ref[...] += jnp.sum(y2, axis=0, keepdims=True)
        q_ref[...] += jnp.sum(y2 * y2, axis=0, keepdims=True)

    vec = pl.BlockSpec((1, D_HID), lambda i: (0, 0))
    return pl.pallas_call(
        body,
        grid=(N_NODES // blk,),
        in_specs=[
            pl.BlockSpec((blk, D_HID), lambda i: (i, 0)),
            vec, vec, vec, vec,
            pl.BlockSpec((D_HID, D_HID), lambda i: (0, 0)),
            vec,
        ],
        out_specs=[
            pl.BlockSpec((blk, D_HID), lambda i: (i, 0)),
            vec, vec,
        ],
        out_shape=[
            jax.ShapeDtypeStruct((N_NODES, D_HID), jnp.bfloat16),
            jax.ShapeDtypeStruct((1, D_HID), jnp.float32),
            jax.ShapeDtypeStruct((1, D_HID), jnp.float32),
        ],
    )(y1, s1, q1, g1, be1, W2, b2)


def _tc_layer3(y2, s2, q2, g2, be2):
    blk = 5000

    def body(y_ref, s2_ref, q2_ref, g_ref, be_ref, o_ref):
        a, b0 = _bn_affine(s2_ref[...], q2_ref[...], g_ref[...], be_ref[...])
        o_ref[...] = jnp.maximum(y_ref[...].astype(jnp.float32) * a + b0, 0.0)

    vec = pl.BlockSpec((1, D_HID), lambda i: (0, 0))
    return pl.pallas_call(
        body,
        grid=(N_NODES // blk,),
        in_specs=[
            pl.BlockSpec((blk, D_HID), lambda i: (i, 0)),
            vec, vec, vec, vec,
        ],
        out_specs=pl.BlockSpec((blk, D_HID), lambda i: (i, 0)),
        out_shape=jax.ShapeDtypeStruct((N_NODES, D_HID), jnp.float32),
    )(y2, s2, q2, g2, be2)


def kernel(x, edge_index, eps, W1, b1, g1, be1, W2, b2, g2, be2):
    E = edge_index.shape[1]
    src = edge_index[0]
    dst = edge_index[1]

    pad = E_PAD - E
    src_p = jnp.concatenate([2 * src, jnp.zeros((pad,), jnp.int32)])
    dst_p = jnp.concatenate([dst, jnp.full((pad,), N_NODES, jnp.int32)])
    src3 = jnp.stack([src_p, src_p + 1]).reshape(
        N_SC, N_TILES, N_CHUNKS, CHUNK)
    dst3 = dst_p.reshape(N_TILES, N_CHUNKS, CHUNK)
    x2 = x.reshape(2 * N_NODES, HALF)

    aggr = _sc_aggregate(x2, src3, dst3)

    epsv = jnp.reshape(eps, (1, 1))
    y1, s1, q1 = _tc_layer1(epsv, x, aggr, W1, jnp.reshape(b1, (1, D_HID)))
    g1v = jnp.reshape(g1, (1, D_HID))
    be1v = jnp.reshape(be1, (1, D_HID))
    y2, s2, q2 = _tc_layer2(y1, s1, q1, g1v, be1v, W2,
                            jnp.reshape(b2, (1, D_HID)))
    g2v = jnp.reshape(g2, (1, D_HID))
    be2v = jnp.reshape(be2, (1, D_HID))
    return _tc_layer3(y2, s2, q2, g2v, be2v)

# --- scband reference (transcript-rebuilt; emitter-appended) ---
"""Pipeline reference for scband-phi-layer-81157702025449 (READ-ONLY COPY).

The authoritative reference and input builder live on the scoring server;
editing this copy changes nothing except your own understanding.
"""

import jax, jax.numpy as jnp
import numpy as np

N = 10000
E = 160000
DIN = 256
DOUT = 512


def setup_inputs(seed: int = 0) -> dict:
    key = jax.random.key(seed)
    ks = jax.random.split(key, 12)
    x = jax.random.normal(ks[0], (N, DIN), dtype=jnp.float32)
    edge_index = jax.random.randint(ks[1], (2, E), 0, N, dtype=jnp.int32)
    eps = jnp.zeros((), dtype=jnp.float32)  # GIN train_eps, init 0
    W1 = jax.random.normal(ks[2], (DIN, DOUT), dtype=jnp.float32) * (1.0 / np.sqrt(DIN))
    b1 = jnp.zeros((DOUT,), dtype=jnp.float32)
    g1 = jnp.ones((DOUT,), dtype=jnp.float32)
    be1 = jnp.zeros((DOUT,), dtype=jnp.float32)
    W2 = jax.random.normal(ks[3], (DOUT, DOUT), dtype=jnp.float32) * (1.0 / np.sqrt(DOUT))
    b2 = jnp.zeros((DOUT,), dtype=jnp.float32)
    g2 = jnp.ones((DOUT,), dtype=jnp.float32)
    be2 = jnp.zeros((DOUT,), dtype=jnp.float32)
    return {"x": x, "edge_index": edge_index, "eps": eps,
            "W1": W1, "b1": b1, "g1": g1, "be1": be1,
            "W2": W2, "b2": b2, "g2": g2, "be2": be2}


def _batch_norm(h, gamma, beta):
    mean = jnp.mean(h, axis=0)
    var = jnp.var(h, axis=0)
    return gamma * (h - mean) / jnp.sqrt(var + 1e-5) + beta


def reference(x, edge_index, eps, W1, b1, g1, be1, W2, b2, g2, be2):
    src = edge_index[0]
    dst = edge_index[1]
    # GINConv with nn.Identity(): out = (1 + eps) * x + sum_{j in N(i)} x_j
    aggr = jnp.zeros_like(x).at[dst].add(jnp.take(x, src, axis=0))
    h = (1.0 + eps) * x + aggr
    # Linear -> BatchNorm -> ReLU (layer 1)
    h = h @ W1 + b1
    h = _batch_norm(h, g1, be1)
    h = jnp.maximum(h, 0.0)
    # Linear -> BatchNorm -> ReLU (layer 2)
    h = h @ W2 + b2
    h = _batch_norm(h, g2, be2)
    h = jnp.maximum(h, 0.0)
    return h

if __name__ == "__main__":
    import jax
    _d = setup_inputs()
    print(jax.jit(kernel)(*tuple(_d.values())))

</pallas_src>

<mosaic_0001>
#map = affine_map<(d0, d1) -> (0, 0)>
#map1 = affine_map<(d0, d1) -> (0, 0, 0, 0)>
#map2 = affine_map<(d0, d1) -> (0, 0, 0)>
module attributes {stable_mosaic.version = 14 : i64} {
  func.func @k(%arg0: i32, %arg1: i32, %arg2: memref<20000x128xf32, #tpu.memory_space<hbm>>, %arg3: memref<2x16x79x128xi32, #tpu.memory_space<hbm>>, %arg4: memref<16x79x128xi32, #tpu.memory_space<hbm>>, %arg5: memref<2x10240x128xf32, #tpu.memory_space<hbm>>, %arg6: memref<40x128xi32, #tpu.memory_space<vmem>>, %arg7: memref<40x128xi32, #tpu.memory_space<vmem>>, %arg8: memref<128x128xf32, #tpu.memory_space<vmem>>, %arg9: memref<128x128xf32, #tpu.memory_space<vmem>>, %arg10: memref<10240x128xf32, #tpu.memory_space<vmem_shared>>, %arg11: memref<!tpu.dma_semaphore, #tpu.memory_space<semaphore_mem>>, %arg12: memref<!tpu.dma_semaphore, #tpu.memory_space<semaphore_mem>>) attributes {dimension_semantics = [#tpu.dimension_semantics<core_parallel>, #tpu.dimension_semantics<subcore_parallel>], iteration_bounds = array<i64: 2, 16>, scalar_prefetch = 0 : i64, scratch_operands = 7 : i64, tpu.core_type = #tpu.core_type<sc_vector_subcore>, window_params = [{transform_indices = #map}, {transform_indices = #map1}, {transform_indices = #map2}, {transform_indices = #map2}]} {
    %dma_start3A = arith.constant 0 : i32
    %dma_start3A_0 = arith.constant 0 : i32
    %dma_start3A_1 = tpu.memref_slice %arg3[%arg0, %arg1, %dma_start3A, %dma_start3A_0] : memref<2x16x79x128xi32, #tpu.memory_space<hbm>> -> memref<1x1x40x128xi32, #tpu.memory_space<hbm>>
    %dma_start3A_2 = tpu.memref_squeeze %dma_start3A_1 : memref<1x1x40x128xi32, #tpu.memory_space<hbm>> -> memref<40x128xi32, #tpu.memory_space<hbm>>
    %dma_start3A_3 = arith.constant 0 : i32
    %dma_start3A_4 = arith.constant 0 : i32
    %dma_start3A_5 = tpu.memref_slice %arg3[%arg0, %arg1, %dma_start3A_3, %dma_start3A_4] : memref<2x16x79x128xi32, #tpu.memory_space<hbm>> -> memref<1x1x40x128xi32, #tpu.memory_space<hbm>>
    %dma_start3A_6 = tpu.memref_squeeze %dma_start3A_5 : memref<1x1x40x128xi32, #tpu.memory_space<hbm>> -> memref<40x128xi32, #tpu.memory_space<hbm>>
    tpu.enqueue_dma source(%dma_start3A_6 : memref<40x128xi32, #tpu.memory_space<hbm>>) target(%arg6 : memref<40x128xi32, #tpu.memory_space<vmem>>) target_semaphore(%arg11 : memref<!tpu.dma_semaphore, #tpu.memory_space<semaphore_mem>>)
    %dma_start3A_7 = arith.constant 0 : i32
    %dma_start3A_8 = arith.constant 0 : i32
    %dma_start3A_9 = tpu.memref_slice %arg4[%arg1, %dma_start3A_7, %dma_start3A_8] : memref<16x79x128xi32, #tpu.memory_space<hbm>> -> memref<1x40x128xi32, #tpu.memory_space<hbm>>
    %dma_start3A_10 = tpu.memref_squeeze %dma_start3A_9 : memref<1x40x128xi32, #tpu.memory_space<hbm>> -> memref<40x128xi32, #tpu.memory_space<hbm>>
    %dma_start3A_11 = arith.constant 0 : i32
    %dma_start3A_12 = arith.constant 0 : i32
    %dma_start3A_13 = tpu.memref_slice %arg4[%arg1, %dma_start3A_11, %dma_start3A_12] : memref<16x79x128xi32, #tpu.memory_space<hbm>> -> memref<1x40x128xi32, #tpu.memory_space<hbm>>
    %dma_start3A_14 = tpu.memref_squeeze %dma_start3A_13 : memref<1x40x128xi32, #tpu.memory_space<hbm>> -> memref<40x128xi32, #tpu.memory_space<hbm>>
    tpu.enqueue_dma source(%dma_start3A_14 : memref<40x128xi32, #tpu.memory_space<hbm>>) target(%arg7 : memref<40x128xi32, #tpu.memory_space<vmem>>) target_semaphore(%arg12 : memref<!tpu.dma_semaphore, #tpu.memory_space<semaphore_mem>>)
    %scan3A = arith.constant 0 : i32
    %scan3A_15 = arith.constant 0 : i32
    %scan3A_16 = arith.constant 128 : i32
    %scan3A_17 = arith.addi %scan3A_15, %scan3A_16 : i32
    %scan3A_18 = arith.constant 1 : i32
    %scan3A_19 = scf.for %scan3A_110 = %scan3A_15 to %scan3A_17 step %scan3A_18 iter_args(%scan3A_111 = %scan3A) -> (i32)  : i32 {
      %scan3A_112 = arith.constant 0 : i32
      %scan3A_113 = arith.constant 0 : i32
      %scan3A_114 = arith.constant 8 : i32
      %scan3A_115 = arith.addi %scan3A_113, %scan3A_114 : i32
      %scan3A_116 = arith.constant 1 : i32
      %scan3A_117 = scf.for %scan3A_119 = %scan3A_113 to %scan3A_115 step %scan3A_116 iter_args(%scan3A_120 = %scan3A_112) -> (i32)  : i32 {
        %broadcast_in_dim3A = arith.constant 0.000000e+00 : f32
        %broadcast_in_dim3A_121 = vector.broadcast %broadcast_in_dim3A : f32 to vector<16xf32>
        %mul3A_122 = arith.constant 16 : i32
        %mul3A_123 = arith.muli %scan3A_119, %mul3A_122 : i32
        %swap3A = arith.index_cast %scan3A_110 : i32 to index
        %swap3A_124 = arith.index_cast %mul3A_123 : i32 to index
        %swap3A_125 = tpu.vector_load %arg8[%swap3A, %swap3A_124] {strides = array<i32>} : memref<128x128xf32, #tpu.memory_space<vmem>>, vector<1x16xf32>,
        %swap3A_126 = vector.shape_cast %swap3A_125 : vector<1x16xf32> to vector<16xf32>
        %swap3A_127 = vector.shape_cast %broadcast_in_dim3A_121 : vector<16xf32> to vector<1x16xf32>
        tpu.vector_store %arg8[%swap3A, %swap3A_124], %swap3A_127 {strides = array<i32>} : memref<128x128xf32, #tpu.memory_space<vmem>>, vector<1x16xf32>,
        %scan3A_128 = arith.constant 0 : i32
        scf.yield %scan3A_128 : i32
      }
      %scan3A_118 = arith.constant 8 : i32
      scf.yield %scan3A_117 : i32
    }
    %scan3A_20 = arith.constant 128 : i32
    %mul3A = arith.constant 640 : i32
    %mul3A_21 = arith.muli %arg1, %mul3A : i32
    %add3A = arith.constant 0 : i32
    %add3A_22 = arith.addi %mul3A_21, %add3A : i32
    "tpu.region"() ({
      %run_scoped3A_110 = tpu.sem_alloc : memref<!tpu.dma_semaphore, #tpu.memory_space<semaphore_mem>>
      %dma_start3A_111 = arith.constant 0 : i32
      %dma_start3A_112 = tpu.memref_slice %arg10[%add3A_22, %dma_start3A_111] : memref<10240x128xf32, #tpu.memory_space<vmem_shared>> -> memref<128x128xf32, #tpu.memory_space<vmem_shared>>
      %dma_start3A_113 = arith.constant 0 : i32
      %dma_start3A_114 = tpu.memref_slice %arg10[%add3A_22, %dma_start3A_113] : memref<10240x128xf32, #tpu.memory_space<vmem_shared>> -> memref<128x128xf32, #tpu.memory_space<vmem_shared>>
      tpu.enqueue_dma source(%arg8 : memref<128x128xf32, #tpu.memory_space<vmem>>) target(%dma_start3A_114 : memref<128x128xf32, #tpu.memory_space<vmem_shared>>) target_semaphore(%run_scoped3A_110 : memref<!tpu.dma_semaphore, #tpu.memory_space<semaphore_mem>>)
      %dma_wait3A_115 = arith.constant 0 : i32
      %dma_wait3A_116 = tpu.memref_slice %arg10[%add3A_22, %dma_wait3A_115] : memref<10240x128xf32, #tpu.memory_space<vmem_shared>> -> memref<128x128xf32, #tpu.memory_space<vmem_shared>>
      %dma_wait3A_117 = arith.constant 0 : i32
      %dma_wait3A_118 = tpu.memref_slice %arg10[%add3A_22, %dma_wait3A_117] : memref<10240x128xf32, #tpu.memory_space<vmem_shared>> -> memref<128x128xf32, #tpu.memory_space<vmem_shared>>
      tpu.wait_dma2 semaphore(%run_scoped3A_110 : memref<!tpu.dma_semaphore, #tpu.memory_space<semaphore_mem>>) src(%arg8 : memref<128x128xf32, #tpu.memory_space<vmem>>) dst(%dma_wait3A_118 : memref<128x128xf32, #tpu.memory_space<vmem_shared>>)
      tpu.yield
    }) : () -> ()
    %mul3A_23 = arith.constant 640 : i32
    %mul3A_24 = arith.muli %arg1, %mul3A_23 : i32
    %add3A_25 = arith.constant 128 : i32
    %add3A_26 = arith.addi %mul3A_24, %add3A_25 : i32
    "tpu.region"() ({
      %run_scoped3A_110 = tpu.sem_alloc : memref<!tpu.dma_semaphore, #tpu.memory_space<semaphore_mem>>
      %dma_start3A_111 = arith.constant 0 : i32
      %dma_start3A_112 = tpu.memref_slice %arg10[%add3A_26, %dma_start3A_111] : memref<10240x128xf32, #tpu.memory_space<vmem_shared>> -> memref<128x128xf32, #tpu.memory_space<vmem_shared>>
      %dma_start3A_113 = arith.constant 0 : i32
      %dma_start3A_114 = tpu.memref_slice %arg10[%add3A_26, %dma_start3A_113] : memref<10240x128xf32, #tpu.memory_space<vmem_shared>> -> memref<128x128xf32, #tpu.memory_space<vmem_shared>>
      tpu.enqueue_dma source(%arg8 : memref<128x128xf32, #tpu.memory_space<vmem>>) target(%dma_start3A_114 : memref<128x128xf32, #tpu.memory_space<vmem_shared>>) target_semaphore(%run_scoped3A_110 : memref<!tpu.dma_semaphore, #tpu.memory_space<semaphore_mem>>)
      %dma_wait3A_115 = arith.constant 0 : i32
      %dma_wait3A_116 = tpu.memref_slice %arg10[%add3A_26, %dma_wait3A_115] : memref<10240x128xf32, #tpu.memory_space<vmem_shared>> -> memref<128x128xf32, #tpu.memory_space<vmem_shared>>
      %dma_wait3A_117 = arith.constant 0 : i32
      %dma_wait3A_118 = tpu.memref_slice %arg10[%add3A_26, %dma_wait3A_117] : memref<10240x128xf32, #tpu.memory_space<vmem_shared>> -> memref<128x128xf32, #tpu.memory_space<vmem_shared>>
      tpu.wait_dma2 semaphore(%run_scoped3A_110 : memref<!tpu.dma_semaphore, #tpu.memory_space<semaphore_mem>>) src(%arg8 : memref<128x128xf32, #tpu.memory_space<vmem>>) dst(%dma_wait3A_118 : memref<128x128xf32, #tpu.memory_space<vmem_shared>>)
      tpu.yield
    }) : () -> ()
    %mul3A_27 = arith.constant 640 : i32
    %mul3A_28 = arith.muli %arg1, %mul3A_27 : i32
    %add3A_29 = arith.constant 256 : i32
    %add3A_30 = arith.addi %mul3A_28, %add3A_29 : i32
    "tpu.region"() ({
      %run_scoped3A_110 = tpu.sem_alloc : memref<!tpu.dma_semaphore, #tpu.memory_space<semaphore_mem>>
      %dma_start3A_111 = arith.constant 0 : i32
      %dma_start3A_112 = tpu.memref_slice %arg10[%add3A_30, %dma_start3A_111] : memref<10240x128xf32, #tpu.memory_space<vmem_shared>> -> memref<128x128xf32, #tpu.memory_space<vmem_shared>>
      %dma_start3A_113 = arith.constant 0 : i32
      %dma_start3A_114 = tpu.memref_slice %arg10[%add3A_30, %dma_start3A_113] : memref<10240x128xf32, #tpu.memory_space<vmem_shared>> -> memref<128x128xf32, #tpu.memory_space<vmem_shared>>
      tpu.enqueue_dma source(%arg8 : memref<128x128xf32, #tpu.memory_space<vmem>>) target(%dma_start3A_114 : memref<128x128xf32, #tpu.memory_space<vmem_shared>>) target_semaphore(%run_scoped3A_110 : memref<!tpu.dma_semaphore, #tpu.memory_space<semaphore_mem>>)
      %dma_wait3A_115 = arith.constant 0 : i32
      %dma_wait3A_116 = tpu.memref_slice %arg10[%add3A_30, %dma_wait3A_115] : memref<10240x128xf32, #tpu.memory_space<vmem_shared>> -> memref<128x128xf32, #tpu.memory_space<vmem_shared>>
      %dma_wait3A_117 = arith.constant 0 : i32
      %dma_wait3A_118 = tpu.memref_slice %arg10[%add3A_30, %dma_wait3A_117] : memref<10240x128xf32, #tpu.memory_space<vmem_shared>> -> memref<128x128xf32, #tpu.memory_space<vmem_shared>>
      tpu.wait_dma2 semaphore(%run_scoped3A_110 : memref<!tpu.dma_semaphore, #tpu.memory_space<semaphore_mem>>) src(%arg8 : memref<128x128xf32, #tpu.memory_space<vmem>>) dst(%dma_wait3A_118 : memref<128x128xf32, #tpu.memory_space<vmem_shared>>)
      tpu.yield
    }) : () -> ()
    %mul3A_31 = arith.constant 640 : i32
    %mul3A_32 = arith.muli %arg1, %mul3A_31 : i32
    %add3A_33 = arith.constant 384 : i32
    %add3A_34 = arith.addi %mul3A_32, %add3A_33 : i32
    "tpu.region"() ({
      %run_scoped3A_110 = tpu.sem_alloc : memref<!tpu.dma_semaphore, #tpu.memory_space<semaphore_mem>>
      %dma_start3A_111 = arith.constant 0 : i32
      %dma_start3A_112 = tpu.memref_slice %arg10[%add3A_34, %dma_start3A_111] : memref<10240x128xf32, #tpu.memory_space<vmem_shared>> -> memref<128x128xf32, #tpu.memory_space<vmem_shared>>
      %dma_start3A_113 = arith.constant 0 : i32
      %dma_start3A_114 = tpu.memref_slice %arg10[%add3A_34, %dma_start3A_113] : memref<10240x128xf32, #tpu.memory_space<vmem_shared>> -> memref<128x128xf32, #tpu.memory_space<vmem_shared>>
      tpu.enqueue_dma source(%arg8 : memref<128x128xf32, #tpu.memory_space<vmem>>) target(%dma_start3A_114 : memref<128x128xf32, #tpu.memory_space<vmem_shared>>) target_semaphore(%run_scoped3A_110 : memref<!tpu.dma_semaphore, #tpu.memory_space<semaphore_mem>>)
      %dma_wait3A_115 = arith.constant 0 : i32
      %dma_wait3A_116 = tpu.memref_slice %arg10[%add3A_34, %dma_wait3A_115] : memref<10240x128xf32, #tpu.memory_space<vmem_shared>> -> memref<128x128xf32, #tpu.memory_space<vmem_shared>>
      %dma_wait3A_117 = arith.constant 0 : i32
      %dma_wait3A_118 = tpu.memref_slice %arg10[%add3A_34, %dma_wait3A_117] : memref<10240x128xf32, #tpu.memory_space<vmem_shared>> -> memref<128x128xf32, #tpu.memory_space<vmem_shared>>
      tpu.wait_dma2 semaphore(%run_scoped3A_110 : memref<!tpu.dma_semaphore, #tpu.memory_space<semaphore_mem>>) src(%arg8 : memref<128x128xf32, #tpu.memory_space<vmem>>) dst(%dma_wait3A_118 : memref<128x128xf32, #tpu.memory_space<vmem_shared>>)
      tpu.yield
    }) : () -> ()
    %mul3A_35 = arith.constant 640 : i32
    %mul3A_36 = arith.muli %arg1, %mul3A_35 : i32
    %add3A_37 = arith.constant 512 : i32
    %add3A_38 = arith.addi %mul3A_36, %add3A_37 : i32
    "tpu.region"() ({
      %run_scoped3A_110 = tpu.sem_alloc : memref<!tpu.dma_semaphore, #tpu.memory_space<semaphore_mem>>
      %dma_start3A_111 = arith.constant 0 : i32
      %dma_start3A_112 = tpu.memref_slice %arg10[%add3A_38, %dma_start3A_111] : memref<10240x128xf32, #tpu.memory_space<vmem_shared>> -> memref<128x128xf32, #tpu.memory_space<vmem_shared>>
      %dma_start3A_113 = arith.constant 0 : i32
      %dma_start3A_114 = tpu.memref_slice %arg10[%add3A_38, %dma_start3A_113] : memref<10240x128xf32, #tpu.memory_space<vmem_shared>> -> memref<128x128xf32, #tpu.memory_space<vmem_shared>>
      tpu.enqueue_dma source(%arg8 : memref<128x128xf32, #tpu.memory_space<vmem>>) target(%dma_start3A_114 : memref<128x128xf32, #tpu.memory_space<vmem_shared>>) target_semaphore(%run_scoped3A_110 : memref<!tpu.dma_semaphore, #tpu.memory_space<semaphore_mem>>)
      %dma_wait3A_115 = arith.constant 0 : i32
      %dma_wait3A_116 = tpu.memref_slice %arg10[%add3A_38, %dma_wait3A_115] : memref<10240x128xf32, #tpu.memory_space<vmem_shared>> -> memref<128x128xf32, #tpu.memory_space<vmem_shared>>
      %dma_wait3A_117 = arith.constant 0 : i32
      %dma_wait3A_118 = tpu.memref_slice %arg10[%add3A_38, %dma_wait3A_117] : memref<10240x128xf32, #tpu.memory_space<vmem_shared>> -> memref<128x128xf32, #tpu.memory_space<vmem_shared>>
      tpu.wait_dma2 semaphore(%run_scoped3A_110 : memref<!tpu.dma_semaphore, #tpu.memory_space<semaphore_mem>>) src(%arg8 : memref<128x128xf32, #tpu.memory_space<vmem>>) dst(%dma_wait3A_118 : memref<128x128xf32, #tpu.memory_space<vmem_shared>>)
      tpu.yield
    }) : () -> ()
    %dma_wait3A = arith.constant 0 : i32
    %dma_wait3A_39 = arith.constant 0 : i32
    %dma_wait3A_40 = tpu.memref_slice %arg3[%arg0, %arg1, %dma_wait3A, %dma_wait3A_39] : memref<2x16x79x128xi32, #tpu.memory_space<hbm>> -> memref<1x1x40x128xi32, #tpu.memory_space<hbm>>
    %dma_wait3A_41 = tpu.memref_squeeze %dma_wait3A_40 : memref<1x1x40x128xi32, #tpu.memory_space<hbm>> -> memref<40x128xi32, #tpu.memory_space<hbm>>
    %dma_wait3A_42 = arith.constant 0 : i32
    %dma_wait3A_43 = arith.constant 0 : i32
    %dma_wait3A_44 = tpu.memref_slice %arg3[%arg0, %arg1, %dma_wait3A_42, %dma_wait3A_43] : memref<2x16x79x128xi32, #tpu.memory_space<hbm>> -> memref<1x1x40x128xi32, #tpu.memory_space<hbm>>
    %dma_wait3A_45 = tpu.memref_squeeze %dma_wait3A_44 : memref<1x1x40x128xi32, #tpu.memory_space<hbm>> -> memref<40x128xi32, #tpu.memory_space<hbm>>
    tpu.wait_dma2 semaphore(%arg11 : memref<!tpu.dma_semaphore, #tpu.memory_space<semaphore_mem>>) src(%dma_wait3A_45 : memref<40x128xi32, #tpu.memory_space<hbm>>) dst(%arg6 : memref<40x128xi32, #tpu.memory_space<vmem>>)
    %dma_wait3A_46 = arith.constant 0 : i32
    %dma_wait3A_47 = arith.constant 0 : i32
    %dma_wait3A_48 = tpu.memref_slice %arg4[%arg1, %dma_wait3A_46, %dma_wait3A_47] : memref<16x79x128xi32, #tpu.memory_space<hbm>> -> memref<1x40x128xi32, #tpu.memory_space<hbm>>
    %dma_wait3A_49 = tpu.memref_squeeze %dma_wait3A_48 : memref<1x40x128xi32, #tpu.memory_space<hbm>> -> memref<40x128xi32, #tpu.memory_space<hbm>>
    %dma_wait3A_50 = arith.constant 0 : i32
    %dma_wait3A_51 = arith.constant 0 : i32
    %dma_wait3A_52 = tpu.memref_slice %arg4[%arg1, %dma_wait3A_50, %dma_wait3A_51] : memref<16x79x128xi32, #tpu.memory_space<hbm>> -> memref<1x40x128xi32, #tpu.memory_space<hbm>>
    %dma_wait3A_53 = tpu.memref_squeeze %dma_wait3A_52 : memref<1x40x128xi32, #tpu.memory_space<hbm>> -> memref<40x128xi32, #tpu.memory_space<hbm>>
    tpu.wait_dma2 semaphore(%arg12 : memref<!tpu.dma_semaphore, #tpu.memory_space<semaphore_mem>>) src(%dma_wait3A_53 : memref<40x128xi32, #tpu.memory_space<hbm>>) dst(%arg7 : memref<40x128xi32, #tpu.memory_space<vmem>>)
    %barrier3A = arith.constant 0 : index
    tpu.barrier barrier_id(%barrier3A)
    %dma_start3A_54 = arith.constant 0 : i32
    %dma_start3A_55 = arith.constant 0 : i32
    %dma_start3A_56 = tpu.memref_slice %arg6[%dma_start3A_54, %dma_start3A_55] : memref<40x128xi32, #tpu.memory_space<vmem>> -> memref<1x128xi32, #tpu.memory_space<vmem>>
    %dma_start3A_57 = tpu.memref_squeeze %dma_start3A_56 : memref<1x128xi32, #tpu.memory_space<vmem>> -> memref<128xi32, #tpu.memory_space<vmem>>
    %dma_start3A_58 = arith.constant 0 : i32
    %dma_start3A_59 = arith.constant 0 : i32
    %dma_start3A_60 = tpu.memref_slice %arg2[%dma_start3A_58, %dma_start3A_59] : memref<20000x128xf32, #tpu.memory_space<hbm>> -> memref<20000x128xf32, #tpu.memory_space<hbm>>
    tpu.enqueue_indirect_dma source(%dma_start3A_60 : memref<20000x128xf32, #tpu.memory_space<hbm>>) target(%arg8 : memref<128x128xf32, #tpu.memory_space<vmem>>) offsets(%dma_start3A_57 : memref<128xi32, #tpu.memory_space<vmem>>) semaphore(%arg11 : memref<!tpu.dma_semaphore, #tpu.memory_space<semaphore_mem>>)
    %scan3A_61 = arith.constant 0 : i32
    %scan3A_62 = arith.constant 0 : i32
    %scan3A_63 = arith.constant 20 : i32
    %scan3A_64 = arith.addi %scan3A_62, %scan3A_63 : i32
    %scan3A_65 = arith.constant 1 : i32
    %scan3A_66 = scf.for %scan3A_110 = %scan3A_62 to %scan3A_64 step %scan3A_65 iter_args(%scan3A_111 = %scan3A_61) -> (i32)  : i32 {
      %mul3A_112 = arith.constant 2 : i32
      %mul3A_113 = arith.muli %mul3A_112, %scan3A_110 : i32
      %add3A_114 = arith.constant 1 : i32
      %add3A_115 = arith.addi %mul3A_113, %add3A_114 : i32
      %dma_start3A_116 = arith.constant 0 : i32
      %dma_start3A_117 = tpu.memref_slice %arg6[%add3A_115, %dma_start3A_116] : memref<40x128xi32, #tpu.memory_space<vmem>> -> memref<1x128xi32, #tpu.memory_space<vmem>>
      %dma_start3A_118 = tpu.memref_squeeze %dma_start3A_117 : memref<1x128xi32, #tpu.memory_space<vmem>> -> memref<128xi32, #tpu.memory_space<vmem>>
      %dma_start3A_119 = arith.constant 0 : i32
      %dma_start3A_120 = arith.constant 0 : i32
      %dma_start3A_121 = tpu.memref_slice %arg2[%dma_start3A_119, %dma_start3A_120] : memref<20000x128xf32, #tpu.memory_space<hbm>> -> memref<20000x128xf32, #tpu.memory_space<hbm>>
      tpu.enqueue_indirect_dma source(%dma_start3A_121 : memref<20000x128xf32, #tpu.memory_space<hbm>>) target(%arg9 : memref<128x128xf32, #tpu.memory_space<vmem>>) offsets(%dma_start3A_118 : memref<128xi32, #tpu.memory_space<vmem>>) semaphore(%arg12 : memref<!tpu.dma_semaphore, #tpu.memory_space<semaphore_mem>>)
      %dma_wait3A_122 = arith.constant 0 : i32
      %dma_wait3A_123 = tpu.memref_slice %arg6[%mul3A_113, %dma_wait3A_122] : memref<40x128xi32, #tpu.memory_space<vmem>> -> memref<1x128xi32, #tpu.memory_space<vmem>>
      %dma_wait3A_124 = tpu.memref_squeeze %dma_wait3A_123 : memref<1x128xi32, #tpu.memory_space<vmem>> -> memref<128xi32, #tpu.memory_space<vmem>>
      %dma_wait3A_125 = arith.constant 0 : i32
      %dma_wait3A_126 = arith.constant 0 : i32
      %dma_wait3A_127 = tpu.memref_slice %arg2[%dma_wait3A_125, %dma_wait3A_126] : memref<20000x128xf32, #tpu.memory_space<hbm>> -> memref<20000x128xf32, #tpu.memory_space<hbm>>
      tpu.wait_indirect_dma semaphore(%arg11 : memref<!tpu.dma_semaphore, #tpu.memory_space<semaphore_mem>>) src(%dma_wait3A_127 : memref<20000x128xf32, #tpu.memory_space<hbm>>) dst(%arg8 : memref<128x128xf32, #tpu.memory_space<vmem>>)
      "tpu.region"() ({
        %run_scoped3A_139 = tpu.sem_alloc : memref<!tpu.dma_semaphore, #tpu.memory_space<semaphore_mem>>
        %dma_start3A_140 = arith.constant 0 : i32
        %dma_start3A_141 = tpu.memref_slice %arg7[%mul3A_113, %dma_start3A_140] : memref<40x128xi32, #tpu.memory_space<vmem>> -> memref<1x128xi32, #tpu.memory_space<vmem>>
        %dma_start3A_142 = tpu.memref_squeeze %dma_start3A_141 : memref<1x128xi32, #tpu.memory_space<vmem>> -> memref<128xi32, #tpu.memory_space<vmem>>
        %dma_start3A_143 = arith.constant 0 : i32
        %dma_start3A_144 = arith.constant 0 : i32
        %dma_start3A_145 = tpu.memref_slice %arg10[%dma_start3A_143, %dma_start3A_144] : memref<10240x128xf32, #tpu.memory_space<vmem_shared>> -> memref<10240x128xf32, #tpu.memory_space<vmem_shared>>
        tpu.enqueue_indirect_dma source(%arg8 : memref<128x128xf32, #tpu.memory_space<vmem>>) target(%dma_start3A_145 : memref<10240x128xf32, #tpu.memory_space<vmem_shared>>) offsets(%dma_start3A_142 : memref<128xi32, #tpu.memory_space<vmem>>) semaphore(%run_scoped3A_139 : memref<!tpu.dma_semaphore, #tpu.memory_space<semaphore_mem>>) {add = true}
        %dma_wait3A_146 = arith.constant 0 : i32
        %dma_wait3A_147 = tpu.memref_slice %arg7[%mul3A_113, %dma_wait3A_146] : memref<40x128xi32, #tpu.memory_space<vmem>> -> memref<1x128xi32, #tpu.memory_space<vmem>>
        %dma_wait3A_148 = tpu.memref_squeeze %dma_wait3A_147 : memref<1x128xi32, #tpu.memory_space<vmem>> -> memref<128xi32, #tpu.memory_space<vmem>>
        %dma_wait3A_149 = arith.constant 0 : i32
        %dma_wait3A_150 = arith.constant 0 : i32
        %dma_wait3A_151 = tpu.memref_slice %arg10[%dma_wait3A_149, %dma_wait3A_150] : memref<10240x128xf32, #tpu.memory_space<vmem_shared>> -> memref<10240x128xf32, #tpu.memory_space<vmem_shared>>
        tpu.wait_indirect_dma semaphore(%run_scoped3A_139 : memref<!tpu.dma_semaphore, #tpu.memory_space<semaphore_mem>>) src(%arg8 : memref<128x128xf32, #tpu.memory_space<vmem>>) dst(%dma_wait3A_151 : memref<10240x128xf32, #tpu.memory_space<vmem_shared>>)
        tpu.yield
      }) : () -> ()
      %add3A_128 = arith.constant 2 : i32
      %add3A_129 = arith.addi %mul3A_113, %add3A_128 : i32
      %lt3A = arith.constant 40 : i32
      %lt3A_130 = arith.cmpi slt, %add3A_129, %lt3A : i32
      %convert_element_type3A = arith.extui %lt3A_130 : i1 to i32
      %cond3A = arith.constant 0 : i32
      %cond3A_131 = arith.cmpi ne, %convert_element_type3A, %cond3A : i32
      scf.if %cond3A_131 {
        %add3A_139 = arith.constant 2 : i32
        %add3A_140 = arith.addi %mul3A_113, %add3A_139 : i32
        %dma_start3A_141 = arith.constant 0 : i32
        %dma_start3A_142 = tpu.memref_slice %arg6[%add3A_140, %dma_start3A_141] : memref<40x128xi32, #tpu.memory_space<vmem>> -> memref<1x128xi32, #tpu.memory_space<vmem>>
        %dma_start3A_143 = tpu.memref_squeeze %dma_start3A_142 : memref<1x128xi32, #tpu.memory_space<vmem>> -> memref<128xi32, #tpu.memory_space<vmem>>
        %dma_start3A_144 = arith.constant 0 : i32
        %dma_start3A_145 = arith.constant 0 : i32
        %dma_start3A_146 = tpu.memref_slice %arg2[%dma_start3A_144, %dma_start3A_145] : memref<20000x128xf32, #tpu.memory_space<hbm>> -> memref<20000x128xf32, #tpu.memory_space<hbm>>
        tpu.enqueue_indirect_dma source(%dma_start3A_146 : memref<20000x128xf32, #tpu.memory_space<hbm>>) target(%arg8 : memref<128x128xf32, #tpu.memory_space<vmem>>) offsets(%dma_start3A_143 : memref<128xi32, #tpu.memory_space<vmem>>) semaphore(%arg11 : memref<!tpu.dma_semaphore, #tpu.memory_space<semaphore_mem>>)
      } else {
      }
      %dma_wait3A_132 = arith.constant 0 : i32
      %dma_wait3A_133 = tpu.memref_slice %arg6[%add3A_115, %dma_wait3A_132] : memref<40x128xi32, #tpu.memory_space<vmem>> -> memref<1x128xi32, #tpu.memory_space<vmem>>
      %dma_wait3A_134 = tpu.memref_squeeze %dma_wait3A_133 : memref<1x128xi32, #tpu.memory_space<vmem>> -> memref<128xi32, #tpu.memory_space<vmem>>
      %dma_wait3A_135 = arith.constant 0 : i32
      %dma_wait3A_136 = arith.constant 0 : i32
      %dma_wait3A_137 = tpu.memref_slice %arg2[%dma_wait3A_135, %dma_wait3A_136] : memref<20000x128xf32, #tpu.memory_space<hbm>> -> memref<20000x128xf32, #tpu.memory_space<hbm>>
      tpu.wait_indirect_dma semaphore(%arg12 : memref<!tpu.dma_semaphore, #tpu.memory_space<semaphore_mem>>) src(%dma_wait3A_137 : memref<20000x128xf32, #tpu.memory_space<hbm>>) dst(%arg9 : memref<128x128xf32, #tpu.memory_space<vmem>>)
      "tpu.region"() ({
        %run_scoped3A_139 = tpu.sem_alloc : memref<!tpu.dma_semaphore, #tpu.memory_space<semaphore_mem>>
        %dma_start3A_140 = arith.constant 0 : i32
        %dma_start3A_141 = tpu.memref_slice %arg7[%add3A_115, %dma_start3A_140] : memref<40x128xi32, #tpu.memory_space<vmem>> -> memref<1x128xi32, #tpu.memory_space<vmem>>
        %dma_start3A_142 = tpu.memref_squeeze %dma_start3A_141 : memref<1x128xi32, #tpu.memory_space<vmem>> -> memref<128xi32, #tpu.memory_space<vmem>>
        %dma_start3A_143 = arith.constant 0 : i32
        %dma_start3A_144 = arith.constant 0 : i32
        %dma_start3A_145 = tpu.memref_slice %arg10[%dma_start3A_143, %dma_start3A_144] : memref<10240x128xf32, #tpu.memory_space<vmem_shared>> -> memref<10240x128xf32, #tpu.memory_space<vmem_shared>>
        tpu.enqueue_indirect_dma source(%arg9 : memref<128x128xf32, #tpu.memory_space<vmem>>) target(%dma_start3A_145 : memref<10240x128xf32, #tpu.memory_space<vmem_shared>>) offsets(%dma_start3A_142 : memref<128xi32, #tpu.memory_space<vmem>>) semaphore(%run_scoped3A_139 : memref<!tpu.dma_semaphore, #tpu.memory_space<semaphore_mem>>) {add = true}
        %dma_wait3A_146 = arith.constant 0 : i32
        %dma_wait3A_147 = tpu.memref_slice %arg7[%add3A_115, %dma_wait3A_146] : memref<40x128xi32, #tpu.memory_space<vmem>> -> memref<1x128xi32, #tpu.memory_space<vmem>>
        %dma_wait3A_148 = tpu.memref_squeeze %dma_wait3A_147 : memref<1x128xi32, #tpu.memory_space<vmem>> -> memref<128xi32, #tpu.memory_space<vmem>>
        %dma_wait3A_149 = arith.constant 0 : i32
        %dma_wait3A_150 = arith.constant 0 : i32
        %dma_wait3A_151 = tpu.memref_slice %arg10[%dma_wait3A_149, %dma_wait3A_150] : memref<10240x128xf32, #tpu.memory_space<vmem_shared>> -> memref<10240x128xf32, #tpu.memory_space<vmem_shared>>
        tpu.wait_indirect_dma semaphore(%run_scoped3A_139 : memref<!tpu.dma_semaphore, #tpu.memory_space<semaphore_mem>>) src(%arg9 : memref<128x128xf32, #tpu.memory_space<vmem>>) dst(%dma_wait3A_151 : memref<10240x128xf32, #tpu.memory_space<vmem_shared>>)
        tpu.yield
      }) : () -> ()
      %scan3A_138 = arith.constant 0 : i32
      scf.yield %scan3A_138 : i32
    }
    %scan3A_67 = arith.constant 20 : i32
    "tpu.region"() ({
      %run_scoped3A_110 = tpu.sem_alloc : memref<!tpu.dma_semaphore, #tpu.memory_space<semaphore_mem>>
      %dma_start3A_111 = arith.constant 0 : i32
      %dma_start3A_112 = arith.constant 0 : i32
      %dma_start3A_113 = tpu.memref_slice %arg6[%dma_start3A_111, %dma_start3A_112] : memref<40x128xi32, #tpu.memory_space<vmem>> -> memref<39x128xi32, #tpu.memory_space<vmem>>
      %dma_start3A_114 = arith.constant 40 : i32
      %dma_start3A_115 = arith.constant 0 : i32
      %dma_start3A_116 = tpu.memref_slice %arg3[%arg0, %arg1, %dma_start3A_114, %dma_start3A_115] : memref<2x16x79x128xi32, #tpu.memory_space<hbm>> -> memref<1x1x39x128xi32, #tpu.memory_space<hbm>>
      %dma_start3A_117 = tpu.memref_squeeze %dma_start3A_116 : memref<1x1x39x128xi32, #tpu.memory_space<hbm>> -> memref<39x128xi32, #tpu.memory_space<hbm>>
      %dma_start3A_118 = arith.constant 0 : i32
      %dma_start3A_119 = arith.constant 0 : i32
      %dma_start3A_120 = tpu.memref_slice %arg6[%dma_start3A_118, %dma_start3A_119] : memref<40x128xi32, #tpu.memory_space<vmem>> -> memref<39x128xi32, #tpu.memory_space<vmem>>
      %dma_start3A_121 = arith.constant 40 : i32
      %dma_start3A_122 = arith.constant 0 : i32
      %dma_start3A_123 = tpu.memref_slice %arg3[%arg0, %arg1, %dma_start3A_121, %dma_start3A_122] : memref<2x16x79x128xi32, #tpu.memory_space<hbm>> -> memref<1x1x39x128xi32, #tpu.memory_space<hbm>>
      %dma_start3A_124 = tpu.memref_squeeze %dma_start3A_123 : memref<1x1x39x128xi32, #tpu.memory_space<hbm>> -> memref<39x128xi32, #tpu.memory_space<hbm>>
      tpu.enqueue_dma source(%dma_start3A_124 : memref<39x128xi32, #tpu.memory_space<hbm>>) target(%dma_start3A_120 : memref<39x128xi32, #tpu.memory_space<vmem>>) target_semaphore(%run_scoped3A_110 : memref<!tpu.dma_semaphore, #tpu.memory_space<semaphore_mem>>)
      %dma_wait3A_125 = arith.constant 0 : i32
      %dma_wait3A_126 = arith.constant 0 : i32
      %dma_wait3A_127 = tpu.memref_slice %arg6[%dma_wait3A_125, %dma_wait3A_126] : memref<40x128xi32, #tpu.memory_space<vmem>> -> memref<39x128xi32, #tpu.memory_space<vmem>>
      %dma_wait3A_128 = arith.constant 40 : i32
      %dma_wait3A_129 = arith.constant 0 : i32
      %dma_wait3A_130 = tpu.memref_slice %arg3[%arg0, %arg1, %dma_wait3A_128, %dma_wait3A_129] : memref<2x16x79x128xi32, #tpu.memory_space<hbm>> -> memref<1x1x39x128xi32, #tpu.memory_space<hbm>>
      %dma_wait3A_131 = tpu.memref_squeeze %dma_wait3A_130 : memref<1x1x39x128xi32, #tpu.memory_space<hbm>> -> memref<39x128xi32, #tpu.memory_space<hbm>>
      %dma_wait3A_132 = arith.constant 0 : i32
      %dma_wait3A_133 = arith.constant 0 : i32
      %dma_wait3A_134 = tpu.memref_slice %arg6[%dma_wait3A_132, %dma_wait3A_133] : memref<40x128xi32, #tpu.memory_space<vmem>> -> memref<39x128xi32, #tpu.memory_space<vmem>>
      %dma_wait3A_135 = arith.constant 40 : i32
      %dma_wait3A_136 = arith.constant 0 : i32
      %dma_wait3A_137 = tpu.memref_slice %arg3[%arg0, %arg1, %dma_wait3A_135, %dma_wait3A_136] : memref<2x16x79x128xi32, #tpu.memory_space<hbm>> -> memref<1x1x39x128xi32, #tpu.memory_space<hbm>>
      %dma_wait3A_138 = tpu.memref_squeeze %dma_wait3A_137 : memref<1x1x39x128xi32, #tpu.memory_space<hbm>> -> memref<39x128xi32, #tpu.memory_space<hbm>>
      tpu.wait_dma2 semaphore(%run_scoped3A_110 : memref<!tpu.dma_semaphore, #tpu.memory_space<semaphore_mem>>) src(%dma_wait3A_138 : memref<39x128xi32, #tpu.memory_space<hbm>>) dst(%dma_wait3A_134 : memref<39x128xi32, #tpu.memory_space<vmem>>)
      tpu.yield
    }) : () -> ()
    "tpu.region"() ({
      %run_scoped3A_110 = tpu.sem_alloc : memref<!tpu.dma_semaphore, #tpu.memory_space<semaphore_mem>>
      %dma_start3A_111 = arith.constant 0 : i32
      %dma_start3A_112 = arith.constant 0 : i32
      %dma_start3A_113 = tpu.memref_slice %arg7[%dma_start3A_111, %dma_start3A_112] : memref<40x128xi32, #tpu.memory_space<vmem>> -> memref<39x128xi32, #tpu.memory_space<vmem>>
      %dma_start3A_114 = arith.constant 40 : i32
      %dma_start3A_115 = arith.constant 0 : i32
      %dma_start3A_116 = tpu.memref_slice %arg4[%arg1, %dma_start3A_114, %dma_start3A_115] : memref<16x79x128xi32, #tpu.memory_space<hbm>> -> memref<1x39x128xi32, #tpu.memory_space<hbm>>
      %dma_start3A_117 = tpu.memref_squeeze %dma_start3A_116 : memref<1x39x128xi32, #tpu.memory_space<hbm>> -> memref<39x128xi32, #tpu.memory_space<hbm>>
      %dma_start3A_118 = arith.constant 0 : i32
      %dma_start3A_119 = arith.constant 0 : i32
      %dma_start3A_120 = tpu.memref_slice %arg7[%dma_start3A_118, %dma_start3A_119] : memref<40x128xi32, #tpu.memory_space<vmem>> -> memref<39x128xi32, #tpu.memory_space<vmem>>
      %dma_start3A_121 = arith.constant 40 : i32
      %dma_start3A_122 = arith.constant 0 : i32
      %dma_start3A_123 = tpu.memref_slice %arg4[%arg1, %dma_start3A_121, %dma_start3A_122] : memref<16x79x128xi32, #tpu.memory_space<hbm>> -> memref<1x39x128xi32, #tpu.memory_space<hbm>>
      %dma_start3A_124 = tpu.memref_squeeze %dma_start3A_123 : memref<1x39x128xi32, #tpu.memory_space<hbm>> -> memref<39x128xi32, #tpu.memory_space<hbm>>
      tpu.enqueue_dma source(%dma_start3A_124 : memref<39x128xi32, #tpu.memory_space<hbm>>) target(%dma_start3A_120 : memref<39x128xi32, #tpu.memory_space<vmem>>) target_semaphore(%run_scoped3A_110 : memref<!tpu.dma_semaphore, #tpu.memory_space<semaphore_mem>>)
      %dma_wait3A_125 = arith.constant 0 : i32
      %dma_wait3A_126 = arith.constant 0 : i32
      %dma_wait3A_127 = tpu.memref_slice %arg7[%dma_wait3A_125, %dma_wait3A_126] : memref<40x128xi32, #tpu.memory_space<vmem>> -> memref<39x128xi32, #tpu.memory_space<vmem>>
      %dma_wait3A_128 = arith.constant 40 : i32
      %dma_wait3A_129 = arith.constant 0 : i32
      %dma_wait3A_130 = tpu.memref_slice %arg4[%arg1, %dma_wait3A_128, %dma_wait3A_129] : memref<16x79x128xi32, #tpu.memory_space<hbm>> -> memref<1x39x128xi32, #tpu.memory_space<hbm>>
      %dma_wait3A_131 = tpu.memref_squeeze %dma_wait3A_130 : memref<1x39x128xi32, #tpu.memory_space<hbm>> -> memref<39x128xi32, #tpu.memory_space<hbm>>
      %dma_wait3A_132 = arith.constant 0 : i32
      %dma_wait3A_133 = arith.constant 0 : i32
      %dma_wait3A_134 = tpu.memref_slice %arg7[%dma_wait3A_132, %dma_wait3A_133] : memref<40x128xi32, #tpu.memory_space<vmem>> -> memref<39x128xi32, #tpu.memory_space<vmem>>
      %dma_wait3A_135 = arith.constant 40 : i32
      %dma_wait3A_136 = arith.constant 0 : i32
      %dma_wait3A_137 = tpu.memref_slice %arg4[%arg1, %dma_wait3A_135, %dma_wait3A_136] : memref<16x79x128xi32, #tpu.memory_space<hbm>> -> memref<1x39x128xi32, #tpu.memory_space<hbm>>
      %dma_wait3A_138 = tpu.memref_squeeze %dma_wait3A_137 : memref<1x39x128xi32, #tpu.memory_space<hbm>> -> memref<39x128xi32, #tpu.memory_space<hbm>>
      tpu.wait_dma2 semaphore(%run_scoped3A_110 : memref<!tpu.dma_semaphore, #tpu.memory_space<semaphore_mem>>) src(%dma_wait3A_138 : memref<39x128xi32, #tpu.memory_space<hbm>>) dst(%dma_wait3A_134 : memref<39x128xi32, #tpu.memory_space<vmem>>)
      tpu.yield
    }) : () -> ()
    %dma_start3A_68 = arith.constant 0 : i32
    %dma_start3A_69 = arith.constant 0 : i32
    %dma_start3A_70 = tpu.memref_slice %arg6[%dma_start3A_68, %dma_start3A_69] : memref<40x128xi32, #tpu.memory_space<vmem>> -> memref<1x128xi32, #tpu.memory_space<vmem>>
    %dma_start3A_71 = tpu.memref_squeeze %dma_start3A_70 : memref<1x128xi32, #tpu.memory_space<vmem>> -> memref<128xi32, #tpu.memory_space<vmem>>
    %dma_start3A_72 = arith.constant 0 : i32
    %dma_start3A_73 = arith.constant 0 : i32
    %dma_start3A_74 = tpu.memref_slice %arg2[%dma_start3A_72, %dma_start3A_73] : memref<20000x128xf32, #tpu.memory_space<hbm>> -> memref<20000x128xf32, #tpu.memory_space<hbm>>
    tpu.enqueue_indirect_dma source(%dma_start3A_74 : memref<20000x128xf32, #tpu.memory_space<hbm>>) target(%arg8 : memref<128x128xf32, #tpu.memory_space<vmem>>) offsets(%dma_start3A_71 : memref<128xi32, #tpu.memory_space<vmem>>) semaphore(%arg11 : memref<!tpu.dma_semaphore, #tpu.memory_space<semaphore_mem>>)
    %scan3A_75 = arith.constant 0 : i32
    %scan3A_76 = arith.constant 0 : i32
    %scan3A_77 = arith.constant 19 : i32
    %scan3A_78 = arith.addi %scan3A_76, %scan3A_77 : i32
    %scan3A_79 = arith.constant 1 : i32
    %scan3A_80 = scf.for %scan3A_110 = %scan3A_76 to %scan3A_78 step %scan3A_79 iter_args(%scan3A_111 = %scan3A_75) -> (i32)  : i32 {
      %mul3A_112 = arith.constant 2 : i32
      %mul3A_113 = arith.muli %mul3A_112, %scan3A_110 : i32
      %add3A_114 = arith.constant 1 : i32
      %add3A_115 = arith.addi %mul3A_113, %add3A_114 : i32
      %dma_start3A_116 = arith.constant 0 : i32
      %dma_start3A_117 = tpu.memref_slice %arg6[%add3A_115, %dma_start3A_116] : memref<40x128xi32, #tpu.memory_space<vmem>> -> memref<1x128xi32, #tpu.memory_space<vmem>>
      %dma_start3A_118 = tpu.memref_squeeze %dma_start3A_117 : memref<1x128xi32, #tpu.memory_space<vmem>> -> memref<128xi32, #tpu.memory_space<vmem>>
      %dma_start3A_119 = arith.constant 0 : i32
      %dma_start3A_120 = arith.constant 0 : i32
      %dma_start3A_121 = tpu.memref_slice %arg2[%dma_start3A_119, %dma_start3A_120] : memref<20000x128xf32, #tpu.memory_space<hbm>> -> memref<20000x128xf32, #tpu.memory_space<hbm>>
      tpu.enqueue_indirect_dma source(%dma_start3A_121 : memref<20000x128xf32, #tpu.memory_space<hbm>>) target(%arg9 : memref<128x128xf32, #tpu.memory_space<vmem>>) offsets(%dma_start3A_118 : memref<128xi32, #tpu.memory_space<vmem>>) semaphore(%arg12 : memref<!tpu.dma_semaphore, #tpu.memory_space<semaphore_mem>>)
      %dma_wait3A_122 = arith.constant 0 : i32
      %dma_wait3A_123 = tpu.memref_slice %arg6[%mul3A_113, %dma_wait3A_122] : memref<40x128xi32, #tpu.memory_space<vmem>> -> memref<1x128xi32, #tpu.memory_space<vmem>>
      %dma_wait3A_124 = tpu.memref_squeeze %dma_wait3A_123 : memref<1x128xi32, #tpu.memory_space<vmem>> -> memref<128xi32, #tpu.memory_space<vmem>>
      %dma_wait3A_125 = arith.constant 0 : i32
      %dma_wait3A_126 = arith.constant 0 : i32
      %dma_wait3A_127 = tpu.memref_slice %arg2[%dma_wait3A_125, %dma_wait3A_126] : memref<20000x128xf32, #tpu.memory_space<hbm>> -> memref<20000x128xf32, #tpu.memory_space<hbm>>
      tpu.wait_indirect_dma semaphore(%arg11 : memref<!tpu.dma_semaphore, #tpu.memory_space<semaphore_mem>>) src(%dma_wait3A_127 : memref<20000x128xf32, #tpu.memory_space<hbm>>) dst(%arg8 : memref<128x128xf32, #tpu.memory_space<vmem>>)
      "tpu.region"() ({
        %run_scoped3A_139 = tpu.sem_alloc : memref<!tpu.dma_semaphore, #tpu.memory_space<semaphore_mem>>
        %dma_start3A_140 = arith.constant 0 : i32
        %dma_start3A_141 = tpu.memref_slice %arg7[%mul3A_113, %dma_start3A_140] : memref<40x128xi32, #tpu.memory_space<vmem>> -> memref<1x128xi32, #tpu.memory_space<vmem>>
        %dma_start3A_142 = tpu.memref_squeeze %dma_start3A_141 : memref<1x128xi32, #tpu.memory_space<vmem>> -> memref<128xi32, #tpu.memory_space<vmem>>
        %dma_start3A_143 = arith.constant 0 : i32
        %dma_start3A_144 = arith.constant 0 : i32
        %dma_start3A_145 = tpu.memref_slice %arg10[%dma_start3A_143, %dma_start3A_144] : memref<10240x128xf32, #tpu.memory_space<vmem_shared>> -> memref<10240x128xf32, #tpu.memory_space<vmem_shared>>
        tpu.enqueue_indirect_dma source(%arg8 : memref<128x128xf32, #tpu.memory_space<vmem>>) target(%dma_start3A_145 : memref<10240x128xf32, #tpu.memory_space<vmem_shared>>) offsets(%dma_start3A_142 : memref<128xi32, #tpu.memory_space<vmem>>) semaphore(%run_scoped3A_139 : memref<!tpu.dma_semaphore, #tpu.memory_space<semaphore_mem>>) {add = true}
        %dma_wait3A_146 = arith.constant 0 : i32
        %dma_wait3A_147 = tpu.memref_slice %arg7[%mul3A_113, %dma_wait3A_146] : memref<40x128xi32, #tpu.memory_space<vmem>> -> memref<1x128xi32, #tpu.memory_space<vmem>>
        %dma_wait3A_148 = tpu.memref_squeeze %dma_wait3A_147 : memref<1x128xi32, #tpu.memory_space<vmem>> -> memref<128xi32, #tpu.memory_space<vmem>>
        %dma_wait3A_149 = arith.constant 0 : i32
        %dma_wait3A_150 = arith.constant 0 : i32
        %dma_wait3A_151 = tpu.memref_slice %arg10[%dma_wait3A_149, %dma_wait3A_150] : memref<10240x128xf32, #tpu.memory_space<vmem_shared>> -> memref<10240x128xf32, #tpu.memory_space<vmem_shared>>
        tpu.wait_indirect_dma semaphore(%run_scoped3A_139 : memref<!tpu.dma_semaphore, #tpu.memory_space<semaphore_mem>>) src(%arg8 : memref<128x128xf32, #tpu.memory_space<vmem>>) dst(%dma_wait3A_151 : memref<10240x128xf32, #tpu.memory_space<vmem_shared>>)
        tpu.yield
      }) : () -> ()
      %add3A_128 = arith.constant 2 : i32
      %add3A_129 = arith.addi %mul3A_113, %add3A_128 : i32
      %lt3A = arith.constant 39 : i32
      %lt3A_130 = arith.cmpi slt, %add3A_129, %lt3A : i32
      %convert_element_type3A = arith.extui %lt3A_130 : i1 to i32
      %cond3A = arith.constant 0 : i32
      %cond3A_131 = arith.cmpi ne, %convert_element_type3A, %cond3A : i32
      scf.if %cond3A_131 {
        %add3A_139 = arith.constant 2 : i32
        %add3A_140 = arith.addi %mul3A_113, %add3A_139 : i32
        %dma_start3A_141 = arith.constant 0 : i32
        %dma_start3A_142 = tpu.memref_slice %arg6[%add3A_140, %dma_start3A_141] : memref<40x128xi32, #tpu.memory_space<vmem>> -> memref<1x128xi32, #tpu.memory_space<vmem>>
        %dma_start3A_143 = tpu.memref_squeeze %dma_start3A_142 : memref<1x128xi32, #tpu.memory_space<vmem>> -> memref<128xi32, #tpu.memory_space<vmem>>
        %dma_start3A_144 = arith.constant 0 : i32
        %dma_start3A_145 = arith.constant 0 : i32
        %dma_start3A_146 = tpu.memref_slice %arg2[%dma_start3A_144, %dma_start3A_145] : memref<20000x128xf32, #tpu.memory_space<hbm>> -> memref<20000x128xf32, #tpu.memory_space<hbm>>
        tpu.enqueue_indirect_dma source(%dma_start3A_146 : memref<20000x128xf32, #tpu.memory_space<hbm>>) target(%arg8 : memref<128x128xf32, #tpu.memory_space<vmem>>) offsets(%dma_start3A_143 : memref<128xi32, #tpu.memory_space<vmem>>) semaphore(%arg11 : memref<!tpu.dma_semaphore, #tpu.memory_space<semaphore_mem>>)
      } else {
      }
      %dma_wait3A_132 = arith.constant 0 : i32
      %dma_wait3A_133 = tpu.memref_slice %arg6[%add3A_115, %dma_wait3A_132] : memref<40x128xi32, #tpu.memory_space<vmem>> -> memref<1x128xi32, #tpu.memory_space<vmem>>
      %dma_wait3A_134 = tpu.memref_squeeze %dma_wait3A_133 : memref<1x128xi32, #tpu.memory_space<vmem>> -> memref<128xi32, #tpu.memory_space<vmem>>
      %dma_wait3A_135 = arith.constant 0 : i32
      %dma_wait3A_136 = arith.constant 0 : i32
      %dma_wait3A_137 = tpu.memref_slice %arg2[%dma_wait3A_135, %dma_wait3A_136] : memref<20000x128xf32, #tpu.memory_space<hbm>> -> memref<20000x128xf32, #tpu.memory_space<hbm>>
      tpu.wait_indirect_dma semaphore(%arg12 : memref<!tpu.dma_semaphore, #tpu.memory_space<semaphore_mem>>) src(%dma_wait3A_137 : memref<20000x128xf32, #tpu.memory_space<hbm>>) dst(%arg9 : memref<128x128xf32, #tpu.memory_space<vmem>>)
      "tpu.region"() ({
        %run_scoped3A_139 = tpu.sem_alloc : memref<!tpu.dma_semaphore, #tpu.memory_space<semaphore_mem>>
        %dma_start3A_140 = arith.constant 0 : i32
        %dma_start3A_141 = tpu.memref_slice %arg7[%add3A_115, %dma_start3A_140] : memref<40x128xi32, #tpu.memory_space<vmem>> -> memref<1x128xi32, #tpu.memory_space<vmem>>
        %dma_start3A_142 = tpu.memref_squeeze %dma_start3A_141 : memref<1x128xi32, #tpu.memory_space<vmem>> -> memref<128xi32, #tpu.memory_space<vmem>>
        %dma_start3A_143 = arith.constant 0 : i32
        %dma_start3A_144 = arith.constant 0 : i32
        %dma_start3A_145 = tpu.memref_slice %arg10[%dma_start3A_143, %dma_start3A_144] : memref<10240x128xf32, #tpu.memory_space<vmem_shared>> -> memref<10240x128xf32, #tpu.memory_space<vmem_shared>>
        tpu.enqueue_indirect_dma source(%arg9 : memref<128x128xf32, #tpu.memory_space<vmem>>) target(%dma_start3A_145 : memref<10240x128xf32, #tpu.memory_space<vmem_shared>>) offsets(%dma_start3A_142 : memref<128xi32, #tpu.memory_space<vmem>>) semaphore(%run_scoped3A_139 : memref<!tpu.dma_semaphore, #tpu.memory_space<semaphore_mem>>) {add = true}
        %dma_wait3A_146 = arith.constant 0 : i32
        %dma_wait3A_147 = tpu.memref_slice %arg7[%add3A_115, %dma_wait3A_146] : memref<40x128xi32, #tpu.memory_space<vmem>> -> memref<1x128xi32, #tpu.memory_space<vmem>>
        %dma_wait3A_148 = tpu.memref_squeeze %dma_wait3A_147 : memref<1x128xi32, #tpu.memory_space<vmem>> -> memref<128xi32, #tpu.memory_space<vmem>>
        %dma_wait3A_149 = arith.constant 0 : i32
        %dma_wait3A_150 = arith.constant 0 : i32
        %dma_wait3A_151 = tpu.memref_slice %arg10[%dma_wait3A_149, %dma_wait3A_150] : memref<10240x128xf32, #tpu.memory_space<vmem_shared>> -> memref<10240x128xf32, #tpu.memory_space<vmem_shared>>
        tpu.wait_indirect_dma semaphore(%run_scoped3A_139 : memref<!tpu.dma_semaphore, #tpu.memory_space<semaphore_mem>>) src(%arg9 : memref<128x128xf32, #tpu.memory_space<vmem>>) dst(%dma_wait3A_151 : memref<10240x128xf32, #tpu.memory_space<vmem_shared>>)
        tpu.yield
      }) : () -> ()
      %scan3A_138 = arith.constant 0 : i32
      scf.yield %scan3A_138 : i32
    }
    %scan3A_81 = arith.constant 19 : i32
    %dma_wait3A_82 = arith.constant 38 : i32
    %dma_wait3A_83 = arith.constant 0 : i32
    %dma_wait3A_84 = tpu.memref_slice %arg6[%dma_wait3A_82, %dma_wait3A_83] : memref<40x128xi32, #tpu.memory_space<vmem>> -> memref<1x128xi32, #tpu.memory_space<vmem>>
    %dma_wait3A_85 = tpu.memref_squeeze %dma_wait3A_84 : memref<1x128xi32, #tpu.memory_space<vmem>> -> memref<128xi32, #tpu.memory_space<vmem>>
    %dma_wait3A_86 = arith.constant 0 : i32
    %dma_wait3A_87 = arith.constant 0 : i32
    %dma_wait3A_88 = tpu.memref_slice %arg2[%dma_wait3A_86, %dma_wait3A_87] : memref<20000x128xf32, #tpu.memory_space<hbm>> -> memref<20000x128xf32, #tpu.memory_space<hbm>>
    tpu.wait_indirect_dma semaphore(%arg11 : memref<!tpu.dma_semaphore, #tpu.memory_space<semaphore_mem>>) src(%dma_wait3A_88 : memref<20000x128xf32, #tpu.memory_space<hbm>>) dst(%arg8 : memref<128x128xf32, #tpu.memory_space<vmem>>)
    %run_scoped3A = arith.constant 38 : i32
    "tpu.region"() ({
      %run_scoped3A_110 = tpu.sem_alloc : memref<!tpu.dma_semaphore, #tpu.memory_space<semaphore_mem>>
      %dma_start3A_111 = arith.constant 0 : i32
      %dma_start3A_112 = tpu.memref_slice %arg7[%run_scoped3A, %dma_start3A_111] : memref<40x128xi32, #tpu.memory_space<vmem>> -> memref<1x128xi32, #tpu.memory_space<vmem>>
      %dma_start3A_113 = tpu.memref_squeeze %dma_start3A_112 : memref<1x128xi32, #tpu.memory_space<vmem>> -> memref<128xi32, #tpu.memory_space<vmem>>
      %dma_start3A_114 = arith.constant 0 : i32
      %dma_start3A_115 = arith.constant 0 : i32
      %dma_start3A_116 = tpu.memref_slice %arg10[%dma_start3A_114, %dma_start3A_115] : memref<10240x128xf32, #tpu.memory_space<vmem_shared>> -> memref<10240x128xf32, #tpu.memory_space<vmem_shared>>
      tpu.enqueue_indirect_dma source(%arg8 : memref<128x128xf32, #tpu.memory_space<vmem>>) target(%dma_start3A_116 : memref<10240x128xf32, #tpu.memory_space<vmem_shared>>) offsets(%dma_start3A_113 : memref<128xi32, #tpu.memory_space<vmem>>) semaphore(%run_scoped3A_110 : memref<!tpu.dma_semaphore, #tpu.memory_space<semaphore_mem>>) {add = true}
      %dma_wait3A_117 = arith.constant 0 : i32
      %dma_wait3A_118 = tpu.memref_slice %arg7[%run_scoped3A, %dma_wait3A_117] : memref<40x128xi32, #tpu.memory_space<vmem>> -> memref<1x128xi32, #tpu.memory_space<vmem>>
      %dma_wait3A_119 = tpu.memref_squeeze %dma_wait3A_118 : memref<1x128xi32, #tpu.memory_space<vmem>> -> memref<128xi32, #tpu.memory_space<vmem>>
      %dma_wait3A_120 = arith.constant 0 : i32
      %dma_wait3A_121 = arith.constant 0 : i32
      %dma_wait3A_122 = tpu.memref_slice %arg10[%dma_wait3A_120, %dma_wait3A_121] : memref<10240x128xf32, #tpu.memory_space<vmem_shared>> -> memref<10240x128xf32, #tpu.memory_space<vmem_shared>>
      tpu.wait_indirect_dma semaphore(%run_scoped3A_110 : memref<!tpu.dma_semaphore, #tpu.memory_space<semaphore_mem>>) src(%arg8 : memref<128x128xf32, #tpu.memory_space<vmem>>) dst(%dma_wait3A_122 : memref<10240x128xf32, #tpu.memory_space<vmem_shared>>)
      tpu.yield
    }) : () -> ()
    %barrier3A_89 = arith.constant 0 : index
    tpu.barrier barrier_id(%barrier3A_89)
    %mul3A_90 = arith.constant 640 : i32
    %mul3A_91 = arith.muli %arg1, %mul3A_90 : i32
    %add3A_92 = arith.constant 0 : i32
    %add3A_93 = arith.addi %mul3A_91, %add3A_92 : i32
    "tpu.region"() ({
      %run_scoped3A_110 = tpu.sem_alloc : memref<!tpu.dma_semaphore, #tpu.memory_space<semaphore_mem>>
      %dma_start3A_111 = arith.constant 0 : i32
      %dma_start3A_112 = tpu.memref_slice %arg5[%arg0, %add3A_93, %dma_start3A_111] : memref<2x10240x128xf32, #tpu.memory_space<hbm>> -> memref<1x128x128xf32, #tpu.memory_space<hbm>>
      %dma_start3A_113 = tpu.memref_squeeze %dma_start3A_112 : memref<1x128x128xf32, #tpu.memory_space<hbm>> -> memref<128x128xf32, #tpu.memory_space<hbm>>
      %dma_start3A_114 = arith.constant 0 : i32
      %dma_start3A_115 = tpu.memref_slice %arg10[%add3A_93, %dma_start3A_114] : memref<10240x128xf32, #tpu.memory_space<vmem_shared>> -> memref<128x128xf32, #tpu.memory_space<vmem_shared>>
      tpu.enqueue_dma source(%dma_start3A_115 : memref<128x128xf32, #tpu.memory_space<vmem_shared>>) target(%dma_start3A_113 : memref<128x128xf32, #tpu.memory_space<hbm>>) target_semaphore(%run_scoped3A_110 : memref<!tpu.dma_semaphore, #tpu.memory_space<semaphore_mem>>)
      %dma_wait3A_116 = arith.constant 0 : i32
      %dma_wait3A_117 = tpu.memref_slice %arg5[%arg0, %add3A_93, %dma_wait3A_116] : memref<2x10240x128xf32, #tpu.memory_space<hbm>> -> memref<1x128x128xf32, #tpu.memory_space<hbm>>
      %dma_wait3A_118 = tpu.memref_squeeze %dma_wait3A_117 : memref<1x128x128xf32, #tpu.memory_space<hbm>> -> memref<128x128xf32, #tpu.memory_space<hbm>>
      %dma_wait3A_119 = arith.constant 0 : i32
      %dma_wait3A_120 = tpu.memref_slice %arg10[%add3A_93, %dma_wait3A_119] : memref<10240x128xf32, #tpu.memory_space<vmem_shared>> -> memref<128x128xf32, #tpu.memory_space<vmem_shared>>
      tpu.wait_dma2 semaphore(%run_scoped3A_110 : memref<!tpu.dma_semaphore, #tpu.memory_space<semaphore_mem>>) src(%dma_wait3A_120 : memref<128x128xf32, #tpu.memory_space<vmem_shared>>) dst(%dma_wait3A_118 : memref<128x128xf32, #tpu.memory_space<hbm>>)
      tpu.yield
    }) : () -> ()
    %mul3A_94 = arith.constant 640 : i32
    %mul3A_95 = arith.muli %arg1, %mul3A_94 : i32
    %add3A_96 = arith.constant 128 : i32
    %add3A_97 = arith.addi %mul3A_95, %add3A_96 : i32
    "tpu.region"() ({
      %run_scoped3A_110 = tpu.sem_alloc : memref<!tpu.dma_semaphore, #tpu.memory_space<semaphore_mem>>
      %dma_start3A_111 = arith.constant 0 : i32
      %dma_start3A_112 = tpu.memref_slice %arg5[%arg0, %add3A_97, %dma_start3A_111] : memref<2x10240x128xf32, #tpu.memory_space<hbm>> -> memref<1x128x128xf32, #tpu.memory_space<hbm>>
      %dma_start3A_113 = tpu.memref_squeeze %dma_start3A_112 : memref<1x128x128xf32, #tpu.memory_space<hbm>> -> memref<128x128xf32, #tpu.memory_space<hbm>>
      %dma_start3A_114 = arith.constant 0 : i32
      %dma_start3A_115 = tpu.memref_slice %arg10[%add3A_97, %dma_start3A_114] : memref<10240x128xf32, #tpu.memory_space<vmem_shared>> -> memref<128x128xf32, #tpu.memory_space<vmem_shared>>
      tpu.enqueue_dma source(%dma_start3A_115 : memref<128x128xf32, #tpu.memory_space<vmem_shared>>) target(%dma_start3A_113 : memref<128x128xf32, #tpu.memory_space<hbm>>) target_semaphore(%run_scoped3A_110 : memref<!tpu.dma_semaphore, #tpu.memory_space<semaphore_mem>>)
      %dma_wait3A_116 = arith.constant 0 : i32
      %dma_wait3A_117 = tpu.memref_slice %arg5[%arg0, %add3A_97, %dma_wait3A_116] : memref<2x10240x128xf32, #tpu.memory_space<hbm>> -> memref<1x128x128xf32, #tpu.memory_space<hbm>>
      %dma_wait3A_118 = tpu.memref_squeeze %dma_wait3A_117 : memref<1x128x128xf32, #tpu.memory_space<hbm>> -> memref<128x128xf32, #tpu.memory_space<hbm>>
      %dma_wait3A_119 = arith.constant 0 : i32
      %dma_wait3A_120 = tpu.memref_slice %arg10[%add3A_97, %dma_wait3A_119] : memref<10240x128xf32, #tpu.memory_space<vmem_shared>> -> memref<128x128xf32, #tpu.memory_space<vmem_shared>>
      tpu.wait_dma2 semaphore(%run_scoped3A_110 : memref<!tpu.dma_semaphore, #tpu.memory_space<semaphore_mem>>) src(%dma_wait3A_120 : memref<128x128xf32, #tpu.memory_space<vmem_shared>>) dst(%dma_wait3A_118 : memref<128x128xf32, #tpu.memory_space<hbm>>)
      tpu.yield
    }) : () -> ()
    %mul3A_98 = arith.constant 640 : i32
    %mul3A_99 = arith.muli %arg1, %mul3A_98 : i32
    %add3A_100 = arith.constant 256 : i32
    %add3A_101 = arith.addi %mul3A_99, %add3A_100 : i32
    "tpu.region"() ({
      %run_scoped3A_110 = tpu.sem_alloc : memref<!tpu.dma_semaphore, #tpu.memory_space<semaphore_mem>>
      %dma_start3A_111 = arith.constant 0 : i32
      %dma_start3A_112 = tpu.memref_slice %arg5[%arg0, %add3A_101, %dma_start3A_111] : memref<2x10240x128xf32, #tpu.memory_space<hbm>> -> memref<1x128x128xf32, #tpu.memory_space<hbm>>
      %dma_start3A_113 = tpu.memref_squeeze %dma_start3A_112 : memref<1x128x128xf32, #tpu.memory_space<hbm>> -> memref<128x128xf32, #tpu.memory_space<hbm>>
      %dma_start3A_114 = arith.constant 0 : i32
      %dma_start3A_115 = tpu.memref_slice %arg10[%add3A_101, %dma_start3A_114] : memref<10240x128xf32, #tpu.memory_space<vmem_shared>> -> memref<128x128xf32, #tpu.memory_space<vmem_shared>>
      tpu.enqueue_dma source(%dma_start3A_115 : memref<128x128xf32, #tpu.memory_space<vmem_shared>>) target(%dma_start3A_113 : memref<128x128xf32, #tpu.memory_space<hbm>>) target_semaphore(%run_scoped3A_110 : memref<!tpu.dma_semaphore, #tpu.memory_space<semaphore_mem>>)
      %dma_wait3A_116 = arith.constant 0 : i32
      %dma_wait3A_117 = tpu.memref_slice %arg5[%arg0, %add3A_101, %dma_wait3A_116] : memref<2x10240x128xf32, #tpu.memory_space<hbm>> -> memref<1x128x128xf32, #tpu.memory_space<hbm>>
      %dma_wait3A_118 = tpu.memref_squeeze %dma_wait3A_117 : memref<1x128x128xf32, #tpu.memory_space<hbm>> -> memref<128x128xf32, #tpu.memory_space<hbm>>
      %dma_wait3A_119 = arith.constant 0 : i32
      %dma_wait3A_120 = tpu.memref_slice %arg10[%add3A_101, %dma_wait3A_119] : memref<10240x128xf32, #tpu.memory_space<vmem_shared>> -> memref<128x128xf32, #tpu.memory_space<vmem_shared>>
      tpu.wait_dma2 semaphore(%run_scoped3A_110 : memref<!tpu.dma_semaphore, #tpu.memory_space<semaphore_mem>>) src(%dma_wait3A_120 : memref<128x128xf32, #tpu.memory_space<vmem_shared>>) dst(%dma_wait3A_118 : memref<128x128xf32, #tpu.memory_space<hbm>>)
      tpu.yield
    }) : () -> ()
    %mul3A_102 = arith.constant 640 : i32
    %mul3A_103 = arith.muli %arg1, %mul3A_102 : i32
    %add3A_104 = arith.constant 384 : i32
    %add3A_105 = arith.addi %mul3A_103, %add3A_104 : i32
    "tpu.region"() ({
      %run_scoped3A_110 = tpu.sem_alloc : memref<!tpu.dma_semaphore, #tpu.memory_space<semaphore_mem>>
      %dma_start3A_111 = arith.constant 0 : i32
      %dma_start3A_112 = tpu.memref_slice %arg5[%arg0, %add3A_105, %dma_start3A_111] : memref<2x10240x128xf32, #tpu.memory_space<hbm>> -> memref<1x128x128xf32, #tpu.memory_space<hbm>>
      %dma_start3A_113 = tpu.memref_squeeze %dma_start3A_112 : memref<1x128x128xf32, #tpu.memory_space<hbm>> -> memref<128x128xf32, #tpu.memory_space<hbm>>
      %dma_start3A_114 = arith.constant 0 : i32
      %dma_start3A_115 = tpu.memref_slice %arg10[%add3A_105, %dma_start3A_114] : memref<10240x128xf32, #tpu.memory_space<vmem_shared>> -> memref<128x128xf32, #tpu.memory_space<vmem_shared>>
      tpu.enqueue_dma source(%dma_start3A_115 : memref<128x128xf32, #tpu.memory_space<vmem_shared>>) target(%dma_start3A_113 : memref<128x128xf32, #tpu.memory_space<hbm>>) target_semaphore(%run_scoped3A_110 : memref<!tpu.dma_semaphore, #tpu.memory_space<semaphore_mem>>)
      %dma_wait3A_116 = arith.constant 0 : i32
      %dma_wait3A_117 = tpu.memref_slice %arg5[%arg0, %add3A_105, %dma_wait3A_116] : memref<2x10240x128xf32, #tpu.memory_space<hbm>> -> memref<1x128x128xf32, #tpu.memory_space<hbm>>
      %dma_wait3A_118 = tpu.memref_squeeze %dma_wait3A_117 : memref<1x128x128xf32, #tpu.memory_space<hbm>> -> memref<128x128xf32, #tpu.memory_space<hbm>>
      %dma_wait3A_119 = arith.constant 0 : i32
      %dma_wait3A_120 = tpu.memref_slice %arg10[%add3A_105, %dma_wait3A_119] : memref<10240x128xf32, #tpu.memory_space<vmem_shared>> -> memref<128x128xf32, #tpu.memory_space<vmem_shared>>
      tpu.wait_dma2 semaphore(%run_scoped3A_110 : memref<!tpu.dma_semaphore, #tpu.memory_space<semaphore_mem>>) src(%dma_wait3A_120 : memref<128x128xf32, #tpu.memory_space<vmem_shared>>) dst(%dma_wait3A_118 : memref<128x128xf32, #tpu.memory_space<hbm>>)
      tpu.yield
    }) : () -> ()
    %mul3A_106 = arith.constant 640 : i32
    %mul3A_107 = arith.muli %arg1, %mul3A_106 : i32
    %add3A_108 = arith.constant 512 : i32
    %add3A_109 = arith.addi %mul3A_107, %add3A_108 : i32
    "tpu.region"() ({
      %run_scoped3A_110 = tpu.sem_alloc : memref<!tpu.dma_semaphore, #tpu.memory_space<semaphore_mem>>
      %dma_start3A_111 = arith.constant 0 : i32
      %dma_start3A_112 = tpu.memref_slice %arg5[%arg0, %add3A_109, %dma_start3A_111] : memref<2x10240x128xf32, #tpu.memory_space<hbm>> -> memref<1x128x128xf32, #tpu.memory_space<hbm>>
      %dma_start3A_113 = tpu.memref_squeeze %dma_start3A_112 : memref<1x128x128xf32, #tpu.memory_space<hbm>> -> memref<128x128xf32, #tpu.memory_space<hbm>>
      %dma_start3A_114 = arith.constant 0 : i32
      %dma_start3A_115 = tpu.memref_slice %arg10[%add3A_109, %dma_start3A_114] : memref<10240x128xf32, #tpu.memory_space<vmem_shared>> -> memref<128x128xf32, #tpu.memory_space<vmem_shared>>
      tpu.enqueue_dma source(%dma_start3A_115 : memref<128x128xf32, #tpu.memory_space<vmem_shared>>) target(%dma_start3A_113 : memref<128x128xf32, #tpu.memory_space<hbm>>) target_semaphore(%run_scoped3A_110 : memref<!tpu.dma_semaphore, #tpu.memory_space<semaphore_mem>>)
      %dma_wait3A_116 = arith.constant 0 : i32
      %dma_wait3A_117 = tpu.memref_slice %arg5[%arg0, %add3A_109, %dma_wait3A_116] : memref<2x10240x128xf32, #tpu.memory_space<hbm>> -> memref<1x128x128xf32, #tpu.memory_space<hbm>>
      %dma_wait3A_118 = tpu.memref_squeeze %dma_wait3A_117 : memref<1x128x128xf32, #tpu.memory_space<hbm>> -> memref<128x128xf32, #tpu.memory_space<hbm>>
      %dma_wait3A_119 = arith.constant 0 : i32
      %dma_wait3A_120 = tpu.memref_slice %arg10[%add3A_109, %dma_wait3A_119] : memref<10240x128xf32, #tpu.memory_space<vmem_shared>> -> memref<128x128xf32, #tpu.memory_space<vmem_shared>>
      tpu.wait_dma2 semaphore(%run_scoped3A_110 : memref<!tpu.dma_semaphore, #tpu.memory_space<semaphore_mem>>) src(%dma_wait3A_120 : memref<128x128xf32, #tpu.memory_space<vmem_shared>>) dst(%dma_wait3A_118 : memref<128x128xf32, #tpu.memory_space<hbm>>)
      tpu.yield
    }) : () -> ()
    return
  }
}

module attributes {stable_mosaic.version = 14 : i64} {
  func.func @body(%arg0: i32, %arg1: memref<1x1xf32, #tpu.memory_space<smem>>, %arg2: memref<5000x256xf32, #tpu.memory_space<vmem>>, %arg3: memref<1x5000x128xf32, #tpu.memory_space<vmem>>, %arg4: memref<1x5000x128xf32, #tpu.memory_space<vmem>>, %arg5: memref<256x512xf32, #tpu.memory_space<vmem>>, %arg6: memref<1x512xf32, #tpu.memory_space<vmem>>, %arg7: memref<5000x512xbf16, #tpu.memory_space<vmem>>, %arg8: memref<1x512xf32, #tpu.memory_space<vmem>>, %arg9: memref<1x512xf32, #tpu.memory_space<vmem>>) attributes {dimension_semantics = [#tpu.dimension_semantics<arbitrary>], iteration_bounds = array<i64: 2>, scalar_prefetch = 0 : i64, scratch_operands = 0 : i64, tpu.core_type = #tpu.core_type<tc>, window_params = [{transform_indices = @transform_0, window_bounds = array<i64: 1, 1>}, {transform_indices = @transform_1, window_bounds = array<i64: 5000, 256>}, {transform_indices = @transform_2, window_bounds = array<i64: 1, 5000, 128>}, {transform_indices = @transform_3, window_bounds = array<i64: 1, 5000, 128>}, {pipeline_mode = #tpu.pipeline_mode<synchronous>, transform_indices = @transform_4, window_bounds = array<i64: 256, 512>}, {pipeline_mode = #tpu.pipeline_mode<synchronous>, transform_indices = @transform_5, window_bounds = array<i64: 1, 512>}, {transform_indices = @transform_6, window_bounds = array<i64: 5000, 512>}, {pipeline_mode = #tpu.pipeline_mode<synchronous>, transform_indices = @transform_7, window_bounds = array<i64: 1, 512>}, {pipeline_mode = #tpu.pipeline_mode<synchronous>, transform_indices = @transform_8, window_bounds = array<i64: 1, 512>}]} {
    %get3A = arith.constant 0 : index
    %get3A_0 = arith.constant 0 : index
    %get3A_1 = memref.load %arg1[%get3A, %get3A_0] : memref<1x1xf32, #tpu.memory_space<smem>>
    %add3A = arith.constant 1.000000e+00 : f32
    %add3A_2 = arith.addf %add3A, %get3A_1 : f32
    %get3A_3 = arith.constant 0 : index
    %get3A_4 = arith.constant 0 : index
    %get3A_5 = vector.load %arg2[%get3A_3, %get3A_4] : memref<5000x256xf32, #tpu.memory_space<vmem>>, vector<5000x256xf32>
    %mul3A = vector.broadcast %add3A_2 : f32 to vector<5000x256xf32>
    %mul3A_6 = arith.mulf %mul3A, %get3A_5 : vector<5000x256xf32>
    %get3A_7 = arith.constant 0 : index
    %get3A_8 = arith.constant 0 : index
    %get3A_9 = arith.constant 0 : index
    %get3A_10 = vector.load %arg3[%get3A_7, %get3A_8, %get3A_9] : memref<1x5000x128xf32, #tpu.memory_space<vmem>>, vector<1x5000x128xf32>
    %get3A_11 = vector.shape_cast %get3A_10 : vector<1x5000x128xf32> to vector<5000x128xf32>
    %get3A_12 = arith.constant 0 : index
    %get3A_13 = arith.constant 0 : index
    %get3A_14 = arith.constant 0 : index
    %get3A_15 = vector.load %arg4[%get3A_12, %get3A_13, %get3A_14] : memref<1x5000x128xf32, #tpu.memory_space<vmem>>, vector<1x5000x128xf32>
    %get3A_16 = vector.shape_cast %get3A_15 : vector<1x5000x128xf32> to vector<5000x128xf32>
    %concatenate3A = tpu.concatenate %get3A_11, %get3A_16 in 1 : vector<5000x128xf32>, vector<5000x128xf32> -> vector<5000x256xf32>
    %add3A_17 = arith.addf %mul3A_6, %concatenate3A : vector<5000x256xf32>
    %get3A_18 = arith.constant 0 : index
    %get3A_19 = arith.constant 0 : index
    %get3A_20 = vector.load %arg5[%get3A_18, %get3A_19] : memref<256x512xf32, #tpu.memory_space<vmem>>, vector<256x512xf32>
    %dot_general3A = arith.constant dense<0.000000e+00> : vector<5000x512xf32>
    %dot_general3A_21 = tpu.matmul %add3A_17, %get3A_20, %dot_general3A {dimension_numbers = #tpu.dot_dimension_numbers<[1], [0], [0], [1], [0, 0, 1, 1], [], []>, transpose_lhs_hint = false} : vector<5000x256xf32>, vector<256x512xf32>, vector<5000x512xf32> -> vector<5000x512xf32>
    %get3A_22 = arith.constant 0 : index
    %get3A_23 = arith.constant 0 : index
    %get3A_24 = vector.load %arg6[%get3A_22, %get3A_23] : memref<1x512xf32, #tpu.memory_space<vmem>>, vector<1x512xf32>
    %add3A_25 = vector.broadcast %get3A_24 : vector<1x512xf32> to vector<5000x512xf32>
    %add3A_26 = arith.addf %dot_general3A_21, %add3A_25 : vector<5000x512xf32>
    %convert_element_type3A = arith.truncf %add3A_26 : vector<5000x512xf32> to vector<5000x512xbf16>
    %swap3A = arith.constant 0 : index
    %swap3A_27 = arith.constant 0 : index
    %swap3A_28 = vector.load %arg7[%swap3A, %swap3A_27] : memref<5000x512xbf16, #tpu.memory_space<vmem>>, vector<5000x512xbf16>
    tpu.vector_store %arg7[%swap3A, %swap3A_27], %convert_element_type3A {strides = array<i32>} : memref<5000x512xbf16, #tpu.memory_space<vmem>>, vector<5000x512xbf16>,
    %eq3A = arith.constant 0 : i32
    %eq3A_29 = arith.cmpi eq, %arg0, %eq3A : i32
    %convert_element_type3A_30 = arith.extui %eq3A_29 : i1 to i32
    %cond3A = arith.constant 0 : i32
    %cond3A_31 = arith.cmpi ne, %convert_element_type3A_30, %cond3A : i32
    scf.if %cond3A_31 {
      %broadcast_in_dim3A_51 = arith.constant 0.000000e+00 : f32
      %broadcast_in_dim3A_52 = vector.broadcast %broadcast_in_dim3A_51 : f32 to vector<1x512xf32>
      %swap3A_53 = arith.constant 0 : index
      %swap3A_54 = arith.constant 0 : index
      %swap3A_55 = vector.load %arg8[%swap3A_53, %swap3A_54] : memref<1x512xf32, #tpu.memory_space<vmem>>, vector<1x512xf32>
      tpu.vector_store %arg8[%swap3A_53, %swap3A_54], %broadcast_in_dim3A_52 {strides = array<i32>} : memref<1x512xf32, #tpu.memory_space<vmem>>, vector<1x512xf32>,
      %broadcast_in_dim3A_56 = arith.constant 0.000000e+00 : f32
      %broadcast_in_dim3A_57 = vector.broadcast %broadcast_in_dim3A_56 : f32 to vector<1x512xf32>
      %swap3A_58 = arith.constant 0 : index
      %swap3A_59 = arith.constant 0 : index
      %swap3A_60 = vector.load %arg9[%swap3A_58, %swap3A_59] : memref<1x512xf32, #tpu.memory_space<vmem>>, vector<1x512xf32>
      tpu.vector_store %arg9[%swap3A_58, %swap3A_59], %broadcast_in_dim3A_57 {strides = array<i32>} : memref<1x512xf32, #tpu.memory_space<vmem>>, vector<1x512xf32>,
    } else {
    }
    %get3A_32 = arith.constant 0 : index
    %get3A_33 = arith.constant 0 : index
    %get3A_34 = vector.load %arg8[%get3A_32, %get3A_33] : memref<1x512xf32, #tpu.memory_space<vmem>>, vector<1x512xf32>
    %reduce_sum3A = arith.constant dense<0.000000e+00> : vector<512xf32>
    %reduce_sum3A_35 = vector.multi_reduction <add>, %add3A_26, %reduce_sum3A [0] : vector<5000x512xf32> to vector<512xf32>
    %broadcast_in_dim3A = vector.shape_cast %reduce_sum3A_35 : vector<512xf32> to vector<1x512xf32>
    %add3A_36 = arith.addf %get3A_34, %broadcast_in_dim3A : vector<1x512xf32>
    %swap3A_37 = arith.constant 0 : index
    %swap3A_38 = arith.constant 0 : index
    %swap3A_39 = vector.load %arg8[%swap3A_37, %swap3A_38] : memref<1x512xf32, #tpu.memory_space<vmem>>, vector<1x512xf32>
    tpu.vector_store %arg8[%swap3A_37, %swap3A_38], %add3A_36 {strides = array<i32>} : memref<1x512xf32, #tpu.memory_space<vmem>>, vector<1x512xf32>,
    %get3A_40 = arith.constant 0 : index
    %get3A_41 = arith.constant 0 : index
    %get3A_42 = vector.load %arg9[%get3A_40, %get3A_41] : memref<1x512xf32, #tpu.memory_space<vmem>>, vector<1x512xf32>
    %mul3A_43 = arith.mulf %add3A_26, %add3A_26 : vector<5000x512xf32>
    %reduce_sum3A_44 = arith.constant dense<0.000000e+00> : vector<512xf32>
    %reduce_sum3A_45 = vector.multi_reduction <add>, %mul3A_43, %reduce_sum3A_44 [0] : vector<5000x512xf32> to vector<512xf32>
    %broadcast_in_dim3A_46 = vector.shape_cast %reduce_sum3A_45 : vector<512xf32> to vector<1x512xf32>
    %add3A_47 = arith.addf %get3A_42, %broadcast_in_dim3A_46 : vector<1x512xf32>
    %swap3A_48 = arith.constant 0 : index
    %swap3A_49 = arith.constant 0 : index
    %swap3A_50 = vector.load %arg9[%swap3A_48, %swap3A_49] : memref<1x512xf32, #tpu.memory_space<vmem>>, vector<1x512xf32>
    tpu.vector_store %arg9[%swap3A_48, %swap3A_49], %add3A_47 {strides = array<i32>} : memref<1x512xf32, #tpu.memory_space<vmem>>, vector<1x512xf32>,
    return
  }
  func.func @transform_0(%arg0: i32) -> (i32, i32) {
    %c0_i32 = arith.constant 0 : i32
    %c0_i32_0 = arith.constant 0 : i32
    %c0_i32_1 = arith.constant 0 : i32
    return %c0_i32, %c0_i32_0 : i32, i32
  }
  func.func @transform_1(%arg0: i32) -> (i32, i32) {
    %c0_i32 = arith.constant 0 : i32
    %c0_i32_0 = arith.constant 0 : i32
    return %arg0, %c0_i32 : i32, i32
  }
  func.func @transform_2(%arg0: i32) -> (i32, i32, i32) {
    %c0_i32 = arith.constant 0 : i32
    %c0_i32_0 = arith.constant 0 : i32
    %c0_i32_1 = arith.constant 0 : i32
    return %c0_i32, %arg0, %c0_i32_0 : i32, i32, i32
  }
  func.func @transform_3(%arg0: i32) -> (i32, i32, i32) {
    %c1_i32 = arith.constant 1 : i32
    %c0_i32 = arith.constant 0 : i32
    %c0_i32_0 = arith.constant 0 : i32
    return %c1_i32, %arg0, %c0_i32 : i32, i32, i32
  }
  func.func @transform_4(%arg0: i32) -> (i32, i32) {
    %c0_i32 = arith.constant 0 : i32
    %c0_i32_0 = arith.constant 0 : i32
    %c0_i32_1 = arith.constant 0 : i32
    return %c0_i32, %c0_i32_0 : i32, i32
  }
  func.func @transform_5(%arg0: i32) -> (i32, i32) {
    %c0_i32 = arith.constant 0 : i32
    %c0_i32_0 = arith.constant 0 : i32
    %c0_i32_1 = arith.constant 0 : i32
    return %c0_i32, %c0_i32_0 : i32, i32
  }
  func.func @transform_6(%arg0: i32) -> (i32, i32) {
    %c0_i32 = arith.constant 0 : i32
    %c0_i32_0 = arith.constant 0 : i32
    return %arg0, %c0_i32 : i32, i32
  }
  func.func @transform_7(%arg0: i32) -> (i32, i32) {
    %c0_i32 = arith.constant 0 : i32
    %c0_i32_0 = arith.constant 0 : i32
    %c0_i32_1 = arith.constant 0 : i32
    return %c0_i32, %c0_i32_0 : i32, i32
  }
  func.func @transform_8(%arg0: i32) -> (i32, i32) {
    %c0_i32 = arith.constant 0 : i32
    %c0_i32_0 = arith.constant 0 : i32
    %c0_i32_1 = arith.constant 0 : i32
    return %c0_i32, %c0_i32_0 : i32, i32
  }
}

module attributes {stable_mosaic.version = 14 : i64} {
  func.func @body(%arg0: i32, %arg1: memref<5000x512xbf16, #tpu.memory_space<vmem>>, %arg2: memref<1x512xf32, #tpu.memory_space<vmem>>, %arg3: memref<1x512xf32, #tpu.memory_space<vmem>>, %arg4: memref<1x512xf32, #tpu.memory_space<vmem>>, %arg5: memref<1x512xf32, #tpu.memory_space<vmem>>, %arg6: memref<512x512xf32, #tpu.memory_space<vmem>>, %arg7: memref<1x512xf32, #tpu.memory_space<vmem>>, %arg8: memref<5000x512xbf16, #tpu.memory_space<vmem>>, %arg9: memref<1x512xf32, #tpu.memory_space<vmem>>, %arg10: memref<1x512xf32, #tpu.memory_space<vmem>>) attributes {dimension_semantics = [#tpu.dimension_semantics<arbitrary>], iteration_bounds = array<i64: 2>, scalar_prefetch = 0 : i64, scratch_operands = 0 : i64, tpu.core_type = #tpu.core_type<tc>, window_params = [{transform_indices = @transform_0, window_bounds = array<i64: 5000, 512>}, {pipeline_mode = #tpu.pipeline_mode<synchronous>, transform_indices = @transform_1, window_bounds = array<i64: 1, 512>}, {pipeline_mode = #tpu.pipeline_mode<synchronous>, transform_indices = @transform_2, window_bounds = array<i64: 1, 512>}, {pipeline_mode = #tpu.pipeline_mode<synchronous>, transform_indices = @transform_3, window_bounds = array<i64: 1, 512>}, {pipeline_mode = #tpu.pipeline_mode<synchronous>, transform_indices = @transform_4, window_bounds = array<i64: 1, 512>}, {pipeline_mode = #tpu.pipeline_mode<synchronous>, transform_indices = @transform_5, window_bounds = array<i64: 512, 512>}, {pipeline_mode = #tpu.pipeline_mode<synchronous>, transform_indices = @transform_6, window_bounds = array<i64: 1, 512>}, {transform_indices = @transform_7, window_bounds = array<i64: 5000, 512>}, {pipeline_mode = #tpu.pipeline_mode<synchronous>, transform_indices = @transform_8, window_bounds = array<i64: 1, 512>}, {pipeline_mode = #tpu.pipeline_mode<synchronous>, transform_indices = @transform_9, window_bounds = array<i64: 1, 512>}]} {
    %get3A = arith.constant 0 : index
    %get3A_0 = arith.constant 0 : index
    %get3A_1 = vector.load %arg2[%get3A, %get3A_0] : memref<1x512xf32, #tpu.memory_space<vmem>>, vector<1x512xf32>
    %get3A_2 = arith.constant 0 : index
    %get3A_3 = arith.constant 0 : index
    %get3A_4 = vector.load %arg3[%get3A_2, %get3A_3] : memref<1x512xf32, #tpu.memory_space<vmem>>, vector<1x512xf32>
    %get3A_5 = arith.constant 0 : index
    %get3A_6 = arith.constant 0 : index
    %get3A_7 = vector.load %arg4[%get3A_5, %get3A_6] : memref<1x512xf32, #tpu.memory_space<vmem>>, vector<1x512xf32>
    %get3A_8 = arith.constant 0 : index
    %get3A_9 = arith.constant 0 : index
    %get3A_10 = vector.load %arg5[%get3A_8, %get3A_9] : memref<1x512xf32, #tpu.memory_space<vmem>>, vector<1x512xf32>
    %mul3A = arith.constant 9.99999974E-5 : f32
    %mul3A_11 = vector.broadcast %mul3A : f32 to vector<1x512xf32>
    %mul3A_12 = arith.mulf %get3A_1, %mul3A_11 : vector<1x512xf32>
    %mul3A_13 = arith.constant 9.99999974E-5 : f32
    %mul3A_14 = vector.broadcast %mul3A_13 : f32 to vector<1x512xf32>
    %mul3A_15 = arith.mulf %get3A_4, %mul3A_14 : vector<1x512xf32>
    %mul3A_16 = arith.mulf %mul3A_12, %mul3A_12 : vector<1x512xf32>
    %sub3A = arith.subf %mul3A_15, %mul3A_16 : vector<1x512xf32>
    %add3A = arith.constant 9.99999974E-6 : f32
    %add3A_17 = vector.broadcast %add3A : f32 to vector<1x512xf32>
    %add3A_18 = arith.addf %sub3A, %add3A_17 : vector<1x512xf32>
    %rsqrt3A = math.rsqrt %add3A_18 : vector<1x512xf32>
    %mul3A_19 = arith.mulf %get3A_7, %rsqrt3A : vector<1x512xf32>
    %mul3A_20 = arith.mulf %mul3A_12, %mul3A_19 : vector<1x512xf32>
    %sub3A_21 = arith.subf %get3A_10, %mul3A_20 : vector<1x512xf32>
    %get3A_22 = arith.constant 0 : index
    %get3A_23 = arith.constant 0 : index
    %get3A_24 = vector.load %arg1[%get3A_22, %get3A_23] : memref<5000x512xbf16, #tpu.memory_space<vmem>>, vector<5000x512xbf16>
    %convert_element_type3A = arith.extf %get3A_24 : vector<5000x512xbf16> to vector<5000x512xf32>
    %mul3A_25 = vector.broadcast %mul3A_19 : vector<1x512xf32> to vector<5000x512xf32>
    %mul3A_26 = arith.mulf %convert_element_type3A, %mul3A_25 : vector<5000x512xf32>
    %add3A_27 = vector.broadcast %sub3A_21 : vector<1x512xf32> to vector<5000x512xf32>
    %add3A_28 = arith.addf %mul3A_26, %add3A_27 : vector<5000x512xf32>
    %max3A = arith.constant 0.000000e+00 : f32
    %max3A_29 = vector.broadcast %max3A : f32 to vector<5000x512xf32>
    %max3A_30 = arith.maximumf %add3A_28, %max3A_29 : vector<5000x512xf32>
    %get3A_31 = arith.constant 0 : index
    %get3A_32 = arith.constant 0 : index
    %get3A_33 = vector.load %arg6[%get3A_31, %get3A_32] : memref<512x512xf32, #tpu.memory_space<vmem>>, vector<512x512xf32>
    %dot_general3A = arith.constant dense<0.000000e+00> : vector<5000x512xf32>
    %dot_general3A_34 = tpu.matmul %max3A_30, %get3A_33, %dot_general3A {dimension_numbers = #tpu.dot_dimension_numbers<[1], [0], [0], [1], [0, 0, 1, 1], [], []>, transpose_lhs_hint = false} : vector<5000x512xf32>, vector<512x512xf32>, vector<5000x512xf32> -> vector<5000x512xf32>
    %get3A_35 = arith.constant 0 : index
    %get3A_36 = arith.constant 0 : index
    %get3A_37 = vector.load %arg7[%get3A_35, %get3A_36] : memref<1x512xf32, #tpu.memory_space<vmem>>, vector<1x512xf32>
    %add3A_38 = vector.broadcast %get3A_37 : vector<1x512xf32> to vector<5000x512xf32>
    %add3A_39 = arith.addf %dot_general3A_34, %add3A_38 : vector<5000x512xf32>
    %convert_element_type3A_40 = arith.truncf %add3A_39 : vector<5000x512xf32> to vector<5000x512xbf16>
    %swap3A = arith.constant 0 : index
    %swap3A_41 = arith.constant 0 : index
    %swap3A_42 = vector.load %arg8[%swap3A, %swap3A_41] : memref<5000x512xbf16, #tpu.memory_space<vmem>>, vector<5000x512xbf16>
    tpu.vector_store %arg8[%swap3A, %swap3A_41], %convert_element_type3A_40 {strides = array<i32>} : memref<5000x512xbf16, #tpu.memory_space<vmem>>, vector<5000x512xbf16>,
    %eq3A = arith.constant 0 : i32
    %eq3A_43 = arith.cmpi eq, %arg0, %eq3A : i32
    %convert_element_type3A_44 = arith.extui %eq3A_43 : i1 to i32
    %cond3A = arith.constant 0 : i32
    %cond3A_45 = arith.cmpi ne, %convert_element_type3A_44, %cond3A : i32
    scf.if %cond3A_45 {
      %broadcast_in_dim3A_65 = arith.constant 0.000000e+00 : f32
      %broadcast_in_dim3A_66 = vector.broadcast %broadcast_in_dim3A_65 : f32 to vector<1x512xf32>
      %swap3A_67 = arith.constant 0 : index
      %swap3A_68 = arith.constant 0 : index
      %swap3A_69 = vector.load %arg9[%swap3A_67, %swap3A_68] : memref<1x512xf32, #tpu.memory_space<vmem>>, vector<1x512xf32>
      tpu.vector_store %arg9[%swap3A_67, %swap3A_68], %broadcast_in_dim3A_66 {strides = array<i32>} : memref<1x512xf32, #tpu.memory_space<vmem>>, vector<1x512xf32>,
      %broadcast_in_dim3A_70 = arith.constant 0.000000e+00 : f32
      %broadcast_in_dim3A_71 = vector.broadcast %broadcast_in_dim3A_70 : f32 to vector<1x512xf32>
      %swap3A_72 = arith.constant 0 : index
      %swap3A_73 = arith.constant 0 : index
      %swap3A_74 = vector.load %arg10[%swap3A_72, %swap3A_73] : memref<1x512xf32, #tpu.memory_space<vmem>>, vector<1x512xf32>
      tpu.vector_store %arg10[%swap3A_72, %swap3A_73], %broadcast_in_dim3A_71 {strides = array<i32>} : memref<1x512xf32, #tpu.memory_space<vmem>>, vector<1x512xf32>,
    } else {
    }
    %get3A_46 = arith.constant 0 : index
    %get3A_47 = arith.constant 0 : index
    %get3A_48 = vector.load %arg9[%get3A_46, %get3A_47] : memref<1x512xf32, #tpu.memory_space<vmem>>, vector<1x512xf32>
    %reduce_sum3A = arith.constant dense<0.000000e+00> : vector<512xf32>
    %reduce_sum3A_49 = vector.multi_reduction <add>, %add3A_39, %reduce_sum3A [0] : vector<5000x512xf32> to vector<512xf32>
    %broadcast_in_dim3A = vector.shape_cast %reduce_sum3A_49 : vector<512xf32> to vector<1x512xf32>
    %add3A_50 = arith.addf %get3A_48, %broadcast_in_dim3A : vector<1x512xf32>
    %swap3A_51 = arith.constant 0 : index
    %swap3A_52 = arith.constant 0 : index
    %swap3A_53 = vector.load %arg9[%swap3A_51, %swap3A_52] : memref<1x512xf32, #tpu.memory_space<vmem>>, vector<1x512xf32>
    tpu.vector_store %arg9[%swap3A_51, %swap3A_52], %add3A_50 {strides = array<i32>} : memref<1x512xf32, #tpu.memory_space<vmem>>, vector<1x512xf32>,
    %get3A_54 = arith.constant 0 : index
    %get3A_55 = arith.constant 0 : index
    %get3A_56 = vector.load %arg10[%get3A_54, %get3A_55] : memref<1x512xf32, #tpu.memory_space<vmem>>, vector<1x512xf32>
    %mul3A_57 = arith.mulf %add3A_39, %add3A_39 : vector<5000x512xf32>
    %reduce_sum3A_58 = arith.constant dense<0.000000e+00> : vector<512xf32>
    %reduce_sum3A_59 = vector.multi_reduction <add>, %mul3A_57, %reduce_sum3A_58 [0] : vector<5000x512xf32> to vector<512xf32>
    %broadcast_in_dim3A_60 = vector.shape_cast %reduce_sum3A_59 : vector<512xf32> to vector<1x512xf32>
    %add3A_61 = arith.addf %get3A_56, %broadcast_in_dim3A_60 : vector<1x512xf32>
    %swap3A_62 = arith.constant 0 : index
    %swap3A_63 = arith.constant 0 : index
    %swap3A_64 = vector.load %arg10[%swap3A_62, %swap3A_63] : memref<1x512xf32, #tpu.memory_space<vmem>>, vector<1x512xf32>
    tpu.vector_store %arg10[%swap3A_62, %swap3A_63], %add3A_61 {strides = array<i32>} : memref<1x512xf32, #tpu.memory_space<vmem>>, vector<1x512xf32>,
    return
  }
  func.func @transform_0(%arg0: i32) -> (i32, i32) {
    %c0_i32 = arith.constant 0 : i32
    %c0_i32_0 = arith.constant 0 : i32
    return %arg0, %c0_i32 : i32, i32
  }
  func.func @transform_1(%arg0: i32) -> (i32, i32) {
    %c0_i32 = arith.constant 0 : i32
    %c0_i32_0 = arith.constant 0 : i32
    %c0_i32_1 = arith.constant 0 : i32
    return %c0_i32, %c0_i32_0 : i32, i32
  }
  func.func @transform_2(%arg0: i32) -> (i32, i32) {
    %c0_i32 = arith.constant 0 : i32
    %c0_i32_0 = arith.constant 0 : i32
    %c0_i32_1 = arith.constant 0 : i32
    return %c0_i32, %c0_i32_0 : i32, i32
  }
  func.func @transform_3(%arg0: i32) -> (i32, i32) {
    %c0_i32 = arith.constant 0 : i32
    %c0_i32_0 = arith.constant 0 : i32
    %c0_i32_1 = arith.constant 0 : i32
    return %c0_i32, %c0_i32_0 : i32, i32
  }
  func.func @transform_4(%arg0: i32) -> (i32, i32) {
    %c0_i32 = arith.constant 0 : i32
    %c0_i32_0 = arith.constant 0 : i32
    %c0_i32_1 = arith.constant 0 : i32
    return %c0_i32, %c0_i32_0 : i32, i32
  }
  func.func @transform_5(%arg0: i32) -> (i32, i32) {
    %c0_i32 = arith.constant 0 : i32
    %c0_i32_0 = arith.constant 0 : i32
    %c0_i32_1 = arith.constant 0 : i32
    return %c0_i32, %c0_i32_0 : i32, i32
  }
  func.func @transform_6(%arg0: i32) -> (i32, i32) {
    %c0_i32 = arith.constant 0 : i32
    %c0_i32_0 = arith.constant 0 : i32
    %c0_i32_1 = arith.constant 0 : i32
    return %c0_i32, %c0_i32_0 : i32, i32
  }
  func.func @transform_7(%arg0: i32) -> (i32, i32) {
    %c0_i32 = arith.constant 0 : i32
    %c0_i32_0 = arith.constant 0 : i32
    return %arg0, %c0_i32 : i32, i32
  }
  func.func @transform_8(%arg0: i32) -> (i32, i32) {
    %c0_i32 = arith.constant 0 : i32
    %c0_i32_0 = arith.constant 0 : i32
    %c0_i32_1 = arith.constant 0 : i32
    return %c0_i32, %c0_i32_0 : i32, i32
  }
  func.func @transform_9(%arg0: i32) -> (i32, i32) {
    %c0_i32 = arith.constant 0 : i32
    %c0_i32_0 = arith.constant 0 : i32
    %c0_i32_1 = arith.constant 0 : i32
    return %c0_i32, %c0_i32_0 : i32, i32
  }
}

module attributes {stable_mosaic.version = 14 : i64} {
  func.func @body(%arg0: i32, %arg1: memref<5000x512xbf16, #tpu.memory_space<vmem>>, %arg2: memref<1x512xf32, #tpu.memory_space<vmem>>, %arg3: memref<1x512xf32, #tpu.memory_space<vmem>>, %arg4: memref<1x512xf32, #tpu.memory_space<vmem>>, %arg5: memref<1x512xf32, #tpu.memory_space<vmem>>, %arg6: memref<5000x512xf32, #tpu.memory_space<vmem>>) attributes {dimension_semantics = [#tpu.dimension_semantics<arbitrary>], iteration_bounds = array<i64: 2>, scalar_prefetch = 0 : i64, scratch_operands = 0 : i64, tpu.core_type = #tpu.core_type<tc>, window_params = [{transform_indices = @transform_0, window_bounds = array<i64: 5000, 512>}, {pipeline_mode = #tpu.pipeline_mode<synchronous>, transform_indices = @transform_1, window_bounds = array<i64: 1, 512>}, {pipeline_mode = #tpu.pipeline_mode<synchronous>, transform_indices = @transform_2, window_bounds = array<i64: 1, 512>}, {pipeline_mode = #tpu.pipeline_mode<synchronous>, transform_indices = @transform_3, window_bounds = array<i64: 1, 512>}, {pipeline_mode = #tpu.pipeline_mode<synchronous>, transform_indices = @transform_4, window_bounds = array<i64: 1, 512>}, {transform_indices = @transform_5, window_bounds = array<i64: 5000, 512>}]} {
    %get3A = arith.constant 0 : index
    %get3A_0 = arith.constant 0 : index
    %get3A_1 = vector.load %arg2[%get3A, %get3A_0] : memref<1x512xf32, #tpu.memory_space<vmem>>, vector<1x512xf32>
    %get3A_2 = arith.constant 0 : index
    %get3A_3 = arith.constant 0 : index
    %get3A_4 = vector.load %arg3[%get3A_2, %get3A_3] : memref<1x512xf32, #tpu.memory_space<vmem>>, vector<1x512xf32>
    %get3A_5 = arith.constant 0 : index
    %get3A_6 = arith.constant 0 : index
    %get3A_7 = vector.load %arg4[%get3A_5, %get3A_6] : memref<1x512xf32, #tpu.memory_space<vmem>>, vector<1x512xf32>
    %get3A_8 = arith.constant 0 : index
    %get3A_9 = arith.constant 0 : index
    %get3A_10 = vector.load %arg5[%get3A_8, %get3A_9] : memref<1x512xf32, #tpu.memory_space<vmem>>, vector<1x512xf32>
    %mul3A = arith.constant 9.99999974E-5 : f32
    %mul3A_11 = vector.broadcast %mul3A : f32 to vector<1x512xf32>
    %mul3A_12 = arith.mulf %get3A_1, %mul3A_11 : vector<1x512xf32>
    %mul3A_13 = arith.constant 9.99999974E-5 : f32
    %mul3A_14 = vector.broadcast %mul3A_13 : f32 to vector<1x512xf32>
    %mul3A_15 = arith.mulf %get3A_4, %mul3A_14 : vector<1x512xf32>
    %mul3A_16 = arith.mulf %mul3A_12, %mul3A_12 : vector<1x512xf32>
    %sub3A = arith.subf %mul3A_15, %mul3A_16 : vector<1x512xf32>
    %add3A = arith.constant 9.99999974E-6 : f32
    %add3A_17 = vector.broadcast %add3A : f32 to vector<1x512xf32>
    %add3A_18 = arith.addf %sub3A, %add3A_17 : vector<1x512xf32>
    %rsqrt3A = math.rsqrt %add3A_18 : vector<1x512xf32>
    %mul3A_19 = arith.mulf %get3A_7, %rsqrt3A : vector<1x512xf32>
    %mul3A_20 = arith.mulf %mul3A_12, %mul3A_19 : vector<1x512xf32>
    %sub3A_21 = arith.subf %get3A_10, %mul3A_20 : vector<1x512xf32>
    %get3A_22 = arith.constant 0 : index
    %get3A_23 = arith.constant 0 : index
    %get3A_24 = vector.load %arg1[%get3A_22, %get3A_23] : memref<5000x512xbf16, #tpu.memory_space<vmem>>, vector<5000x512xbf16>
    %convert_element_type3A = arith.extf %get3A_24 : vector<5000x512xbf16> to vector<5000x512xf32>
    %mul3A_25 = vector.broadcast %mul3A_19 : vector<1x512xf32> to vector<5000x512xf32>
    %mul3A_26 = arith.mulf %convert_element_type3A, %mul3A_25 : vector<5000x512xf32>
    %add3A_27 = vector.broadcast %sub3A_21 : vector<1x512xf32> to vector<5000x512xf32>
    %add3A_28 = arith.addf %mul3A_26, %add3A_27 : vector<5000x512xf32>
    %max3A = arith.constant 0.000000e+00 : f32
    %max3A_29 = vector.broadcast %max3A : f32 to vector<5000x512xf32>
    %max3A_30 = arith.maximumf %add3A_28, %max3A_29 : vector<5000x512xf32>
    %swap3A = arith.constant 0 : index
    %swap3A_31 = arith.constant 0 : index
    %swap3A_32 = vector.load %arg6[%swap3A, %swap3A_31] : memref<5000x512xf32, #tpu.memory_space<vmem>>, vector<5000x512xf32>
    tpu.vector_store %arg6[%swap3A, %swap3A_31], %max3A_30 {strides = array<i32>} : memref<5000x512xf32, #tpu.memory_space<vmem>>, vector<5000x512xf32>,
    return
  }
  func.func @transform_0(%arg0: i32) -> (i32, i32) {
    %c0_i32 = arith.constant 0 : i32
    %c0_i32_0 = arith.constant 0 : i32
    return %arg0, %c0_i32 : i32, i32
  }
  func.func @transform_1(%arg0: i32) -> (i32, i32) {
    %c0_i32 = arith.constant 0 : i32
    %c0_i32_0 = arith.constant 0 : i32
    %c0_i32_1 = arith.constant 0 : i32
    return %c0_i32, %c0_i32_0 : i32, i32
  }
  func.func @transform_2(%arg0: i32) -> (i32, i32) {
    %c0_i32 = arith.constant 0 : i32
    %c0_i32_0 = arith.constant 0 : i32
    %c0_i32_1 = arith.constant 0 : i32
    return %c0_i32, %c0_i32_0 : i32, i32
  }
  func.func @transform_3(%arg0: i32) -> (i32, i32) {
    %c0_i32 = arith.constant 0 : i32
    %c0_i32_0 = arith.constant 0 : i32
    %c0_i32_1 = arith.constant 0 : i32
    return %c0_i32, %c0_i32_0 : i32, i32
  }
  func.func @transform_4(%arg0: i32) -> (i32, i32) {
    %c0_i32 = arith.constant 0 : i32
    %c0_i32_0 = arith.constant 0 : i32
    %c0_i32_1 = arith.constant 0 : i32
    return %c0_i32, %c0_i32_0 : i32, i32
  }
  func.func @transform_5(%arg0: i32) -> (i32, i32) {
    %c0_i32 = arith.constant 0 : i32
    %c0_i32_0 = arith.constant 0 : i32
    return %arg0, %c0_i32 : i32, i32
  }
}

</mosaic_0001>

<sc_bundles>
// kernel: kernel.6.cloned.1.call-start
scs
__scs_entry_jumppad:
0x0: {  	(pc) =	sbr.rel $0x88, $3  }
0x1: {  	(tag) =	ssettag $0x0;
	lr =	simm.s32 $0x1  }
0x2: {  	[smem:$0x3F96] =	sst lr;
	_ =	strace $0xD0000000  }
0x3: {  	_ = 	snop  }
0x4: {  	_ = 	snop  }
0x5: {  	_ = 	snop  }
0x6: {  	_ = 	snop  }
0x7: {  	_ = 	snop  }
__scs_overlays_trampoline_lowered:
0x8: {  	[smem:$0x3FA5] =	sst s0  }
0x9: {  	[smem:$0x3FA6] =	sst s1  }
0xa: {  	[smem:$0x3FA7] =	sst s2  }
0xb: {  	[smem:$0x3FA8] =	sst s3  }
0xc: {  	[smem:$0x3FA9] =	sst s4  }
0xd: {  	[smem:$0x3FAA] =	sst s5  }
0xe: {  	[smem:$0x3FAB] =	sst s6  }
0xf: {  	[smem:$0x3FAC] =	sst s7  }
0x10: {  	[smem:$0x3FAD] =	sst s8  }
0x11: {  	[smem:$0x3FAE] =	sst s9;
	s0 =	simm.s32 @!p0 $0x0  }
0x12: {  	s1 =	sld [smem:$0x3F94];
	s0 =	simm.s32 @p0 $0x1  }
0x13: {  	[smem:$0x3FAF] =	sst s0;
	s0 =	simm.s32 @!p1 $0x0  }
0x14: {  	s2 =	sld [smem:$0x3F93];
	s0 =	simm.s32 @p1 $0x1  }
0x15: {  	[smem:$0x3FB0] =	sst s0;
	s0 =	simm.s32 @!p2 $0x0  }
0x16: {  	s3 =	sld [smem:$0x3FDB];
	s0 =	simm.s32 @p2 $0x1  }
0x17: {  	s4 =	simm.s32 $0x1BF5;
	[smem:$0x3FB2] =	sst s0  }
0x18: {  	s0 =	sld [smem:$0x3F95];
	_ =	swait.ge [sflag:s4], $0x0  }
0x19: {  	s7 =	sld [smem:$0x3F96]  }
0x1a: {  	s8 =	sadd.s32 $0xFFFFE003, lr  }
0x1b: {  	s9 =	sadd.s32 $0xFFFFFEF7, lr;
	s5 =	simm.s32 $0xFFFFFFFF;
	p2 =	slt.u32 s8, $0xFFFFF086  }
0x1c: {  	p1 =	slt.u32 s9, $0xF7A;
	s5 =	simm.s32 @!p2 $0x0  }
0x1d: {  	s5 =	simm.s32 @p1 $0x1;
	p0 =	seq.s32 s7, s2  }
0x1e: {  	s7 =	smul.u32 @!p0 $0xF7A, s2;
	p2 =	seq.s32 @!p0 s5, $0x0  }
0x1f: {  	s9 =	smul.u32 $0xF7A, s1;
	s8 =	simm.s32 @!p0 $0x1BF5;
	p2 =	por !p2, p0  }
0x20: {  	[sflag:s8] =	ssyncset.s32 @!p0 $0xFFFFF086;
	s6 =	sadd.s32 @!p0 s3, s7;
	s7 =	simm.s32 @!p0 $0x108  }
0x21: {  	s3 =	sadd.s32 s3, s9;
	s6 =	sadd.s32 @!p0 $0x88, s6;
	s7 =	simm.s32 @p2 $0x1082  }
0x22: {  	[simem:s7], [sflag:s8] =	dma.local @!p0 [hbm:s6], $0xF7A  }
0x23: {  	s9 =	sor.u32 $0xD0000000, s2;
	s6 =	simm.s32 $0x108;
	_ =	swait.ge @!p0 [sflag:s8], $0x0  }
0x24: {  	s3 =	sadd.s32 $0x88, s3;
	s6 =	simm.s32 @!p1 $0x1082;
	[sflag:s4] =	ssyncset.s32 $0xFFFFF086  }
0x25: {  	[simem:s6], [sflag:s4] =	dma.local [hbm:s3], $0xF7A  }
0x26: {  	[smem:$0x3F96] =	sst s1;
	(tag) =	ssettag s2;
	_ =	strace s9  }
0x27: {  	s1 =	sld [smem:$0x3FA6]  }
0x28: {  	s2 =	sld [smem:$0x3FA7]  }
0x29: {  	s4 =	sld [smem:$0x3FA9]  }
0x2a: {  	p0 =	seq.s32 s5, $0x0;
	s5 =	sld [smem:$0x3FAA]  }
0x2b: {  	s6 =	sld [smem:$0x3FAB]  }
0x2c: {  	s7 =	sld [smem:$0x3FAC]  }
0x2d: {  	s3 =	simm.s32 $0x108;
	s8 =	sld [smem:$0x3FAD]  }
0x2e: {  	s3 =	simm.s32 @!p0 $0x1082;
	s9 =	sld [smem:$0x3FAE]  }
0x2f: {  	lr =	sadd.s32 s0, s3;
	s0 =	sld [smem:$0x3FA5]  }
0x30: {  	s3 =	sld [smem:$0x3FA8]  }
0x31: {  	[smem:$0x3FB1] =	sst s10  }
0x32: {  	s10 =	sld [smem:$0x3FAF];
	_ =	sdelay $0x3  }
0x33: {  	p0 =	seq.s32 s10, $0x1;
	s10 =	sld [smem:$0x3FB1];
	_ =	sdelay $0x3  }
0x34: {  	[smem:$0x3FB1] =	sst s10  }
0x35: {  	s10 =	sld [smem:$0x3FB0];
	_ =	sdelay $0x3  }
0x36: {  	p1 =	seq.s32 s10, $0x1;
	s10 =	sld [smem:$0x3FB1];
	_ =	sdelay $0x3  }
0x37: {  	[smem:$0x3FB1] =	sst s10  }
0x38: {  	s10 =	sld [smem:$0x3FB2]  }
0x39: {  	_ = 	snop;
	(pc) =	sbr.ind lr, $3  }
0x3a: {  	_ = 	snop  }
0x3b: {  	_ = 	snop  }
0x3c: {  	p2 =	seq.s32 s10, $0x1;
	s10 =	sld [smem:$0x3FB1]  }
0x3d: {  	_ =	shalt  }
0x3e: {  	_ =	shalt  }
0x3f: {  	_ =	shalt  }
0x40: {  	_ =	shalt  }
0x41: {  	_ =	shalt  }
0x42: {  	_ =	shalt  }
0x43: {  	_ =	shalt  }
0x44: {  	_ =	shalt  }
0x45: {  	_ =	shalt  }
0x46: {  	_ =	shalt  }
0x47: {  	_ =	shalt  }
0x48: {  	_ =	shalt  }
0x49: {  	_ =	shalt  }
0x4a: {  	_ =	shalt  }
0x4b: {  	_ =	shalt  }
0x4c: {  	_ =	shalt  }
0x4d: {  	_ =	shalt  }
0x4e: {  	_ =	shalt  }
0x4f: {  	_ =	shalt  }
0x50: {  	_ =	shalt  }
0x51: {  	_ =	shalt  }
0x52: {  	_ =	shalt  }
0x53: {  	_ =	shalt  }
0x54: {  	_ =	shalt  }
0x55: {  	_ =	shalt  }
0x56: {  	_ =	shalt  }
0x57: {  	_ =	shalt  }
0x58: {  	_ =	shalt  }
0x59: {  	_ =	shalt  }
0x5a: {  	_ =	shalt  }
0x5b: {  	_ =	shalt  }
0x5c: {  	_ =	shalt  }
0x5d: {  	_ =	shalt  }
0x5e: {  	_ =	shalt  }
0x5f: {  	_ =	shalt  }
0x60: {  	_ =	shalt  }
0x61: {  	_ =	shalt  }
0x62: {  	_ =	shalt  }
0x63: {  	_ =	shalt  }
0x64: {  	_ =	shalt  }
0x65: {  	_ =	shalt  }
0x66: {  	_ =	shalt  }
0x67: {  	_ =	shalt  }
0x68: {  	_ =	shalt  }
0x69: {  	_ =	shalt  }
0x6a: {  	_ =	shalt  }
0x6b: {  	_ =	shalt  }
0x6c: {  	_ =	shalt  }
0x6d: {  	_ =	shalt  }
0x6e: {  	_ =	shalt  }
0x6f: {  	_ =	shalt  }
0x70: {  	_ =	shalt  }
0x71: {  	_ =	shalt  }
0x72: {  	_ =	shalt  }
0x73: {  	_ =	shalt  }
0x74: {  	_ =	shalt  }
0x75: {  	_ =	shalt  }
0x76: {  	_ =	shalt  }
0x77: {  	_ =	shalt  }
0x78: {  	_ =	shalt  }
0x79: {  	_ =	shalt  }
0x7a: {  	_ =	shalt  }
0x7b: {  	_ =	shalt  }
0x7c: {  	_ =	shalt  }
0x7d: {  	_ =	shalt  }
0x7e: {  	_ =	shalt  }
0x7f: {  	_ =	shalt  }
0x80: {  	_ =	shalt  }
0x81: {  	_ =	shalt  }
0x82: {  	_ =	shalt  }
0x83: {  	_ =	shalt  }
0x84: {  	_ =	shalt  }
0x85: {  	_ =	shalt  }
0x86: {  	_ =	shalt  }
0x87: {  	_ =	shalt  }
.Lfunc_end0:
.L_simem_size_0:
called_computation_lowered:
.L_overlay_start_0:
0x88: {  	s2 =	sld [smem:$0x3FD9]  }
0x89: {  	s3 =	sld [smem:$0x3FFE];
	_ =	sdelay $0x1  }
0x8a: {  	s1 =	srdreg.scid  }
0x8b: {  	s0 =	sand.u32 $0x1, s1  }
0x8c: {  	s17 =	sshll.u32 s0, $0xA;
	s2 =	sadd.s32 s3, s2  }
0x8d: {  	s2 =	sadd.s32 s2, s17  }
0x8e: {  	[smem:$0x3FBD] =	sst s2  }
0x8f: {  	_ = 	snop  }
0x90: {  	s2 =	sld [smem:$0x3FD0];
	(tm) =	ssettm $0x1  }
0x91: {  	s18 =	sld [smem:$0x3FFB];
	_ =	sdelay $0x3  }
0x92: {  	_ =	strace s18  }
0x93: {  	s3 =	sld [smem:$0x3FFC];
	_ =	sdelay $0x3  }
0x94: {  	_ =	strace s3  }
0x95: {  	s3 =	sld [smem:$0x3FFD];
	_ =	sdelay $0x3  }
0x96: {  	_ =	strace s3  }
0x97: {  	_ =	strace $0x8FFFFFFF  }
0x98: {  	s19 =	sld [smem:$0x3FDB];
	_ =	sdelay $0x1  }
0x99: {  	s4 =	simm.s32 $_scs_section_size  }
0x9a: {  	s5 =	simm.s32 $_size__tile_overlayer_lowered;
	s6 =	simm.s32 $_tile_overlayer_lowered  }
0x9b: {  	s22 =	simm.s32 $0x1BFF;
	s21 =	sshll.u32 s6, $0x1;
	s3 =	sadd.s32 s4, s19  }
0x9c: {  	s7 =	simm.s32 $0x0;
	s20 =	sshll.u32 s5, $0x1;
	s5 =	sadd.s32 s21, s3  }
0x9d: {  	[timem:s7], [sflag:s22] =	dma.local [hbm:s5], s20  }
0x9e: {  	_ =	swait.ge [sflag:s22], s20  }
0x9f: {  	s4 =	ssub.s32 $0x0, s20;
	[sflag:s22] =	ssyncset.done $0x0  }
0xa0: {  	[sflag:s22] =	ssyncadd.s32 s4;
	_ =	sdelay $0x1  }
0xa1: {  	s23 =	simm.s32 $0x1B8B  }
0xa2: {  	_ =	swait.ge [sflag:s23], $0x1  }
0xa3: {  	[sflag:s23] =	ssyncset.done $0x0  }
0xa4: {  	s25 =	simm.s32 $0x1B8E;
	s24 =	sld [smem:$0x3FFE];
	[sflag:s23] =	ssyncadd.s32 $0xFFFFFFFF  }
0xa5: {  	s26 =	simm.s32 $execute0_lowered;
	[smem:$0x3FD2] =	sst s25  }
0xa6: {  	s5 =	sshll.u32 s26, $0x1;
	_ =	strace $0x80000046;
	[dreg:$0x1] =	wrdreg $0xFFFFFFFF  }
0xa7: {  	s28 =	simm.s32 $_size_execute0_lowered;
	s3 =	sadd.s32 s3, s5;
	[dreg:$0x0] =	wrdreg $0x0  }
0xa8: {  	s5 =	sshll.u32 s28, $0x1;
	[dreg:$0x2] =	wrdreg s3  }
0xa9: {  	[dreg:$0x3] =	wrdreg s5  }
0xaa: {  	[dreg:$0x4] =	wrdreg $0xC0  }
0xab: {  	_ =	task [dreg:s7], $0x5FFFF  }
0xac: {  	[dreg:$0x1] =	wrdreg $0xFFFFFFFF  }
0xad: {  	[dreg:$0x0] =	wrdreg $0x60  }
0xae: {  	[dreg:$0x2] =	wrdreg s24  }
0xaf: {  	[dreg:$0x3] =	wrdreg s2  }
0xb0: {  	[dreg:$0x4] =	wrdreg $0xA8000  }
0xb1: {  	[dreg:$0x5] =	wrdreg $0x9  }
0xb2: {  	_ =	task.clear_ibuf [dreg:s7], $0x6FFFF;
	_ =	strace $0x90000046  }
0xb3: {  	s29 =	simm.s32 $0x9;
	_ =	strace $0x80000048  }
0xb4: {  	_ =	swait.ge [sflag:s29], $0x1  }
0xb5: {  	[sflag:s29] =	ssyncadd.s32 $0xFFFFFFFF  }
0xb6: {  	_ =	strace $0x90000048  }
0xb7: {  	_ =	sfence  }
0xb8: {  	s30 =	sld [smem:$0x0];
	_ =	sdelay $0x2  }
0xb9: {  	s31 =	sshll.u32 s1, $0xD;
	s1 =	sshrl.u32 s1, $0x2  }
0xba: {  	s3 =	sand.u32 $0x4000, s31;
	s1 =	sadd.s32 s1, s30  }
0xbb: {  	s0 =	sor.u32 s3, s0;
	s1 =	sshll.u32 s1, $0x11  }
0xbc: {  	s0 =	sor.u32 s1, s0  }
0xbd: {  	s0 =	sadd.s32 $0x8F2B, s0  }
0xbe: {  	[sflag:s0] =	ssyncadd.remote.s32 $0x1  }
0xbf: {  	_ =	sfence.sel $0xFFFF  }
0xc0: {  	[dreg:$0x0] =	wrdreg $0xFFFFFFFF;
	(pc) =	sbr.abs _section_cstart, $3  }
0xc1: {  	[dreg:$0x1] =	wrdreg $0xFFFFFFFF  }
0xc2: {  	_ =	task.clear_ibuf [dreg:s7], $0x2FFFF;
	_ =	strace $0x9FFFFFFF  }
0xc3: {  	(tm) =	ssettm $0x7FFFFFFF  }
tec
execute0_lowered:
.L_overlay_start_1:
0x0: {  	(tag) =	ssettag $0x1  }
0x1: {  	s0 =	rddreg [dreg:$0x0]  }
0x2: {  	s1 =	rddreg [dreg:$0x1];
	s3 =	srdreg.scid  }
0x3: {  	s2 =	rddreg [dreg:$0x2];
	s23 =	stileid.u32  }
0x4: {  	s4 =	simm.s32 $0x0;
	s22 =	simm.s32 $0x3;
	s6 =	smul.u32 $0x2800, s23  }
0x5: {  	s29 =	simm.s32 $0x2700;
	s31 =	simm.s32 $0x0;
	s8 =	smul.u32 $0x50000, s23  }
0x6: {  	s9 =	sand.u32 $0x1, s3;
	[smem:$0x7FF] =	sst s4;
	s12 =	smul.u32 $0x14000, s23  }
0x7: {  	s4 =	sadd.s32 $0x6E00, s0;
	s23 =	simm.s32 $0x1;
	s5 =	smul.u32 $0x28000, s9  }
0x8: {  	_ =	strace $0x80000047;
	s7 =	ssub.s32 $0x2, s9;
	s18 =	smul.u32 $0x140000, s9  }
0x9: {  	s10 =	sshrl.u32 s7, $0x1;
	s24 =	sshrl.u32 s8, $0x2;
	s14 =	sadd.s32 $0x4000, s12  }
0xa: {  	s16 =	sadd.s32 $0x8000, s12;
	s17 =	sadd.s32 $0xC000, s12;
	s20 =	sadd.s32 $0x10000, s12  }
0xb: {  	s5 =	sadd.s32 s6, s5;
	s6 =	sshrl.u32 s6, $0x3;
	s19 =	ssub.s32 s7, s10  }
0xc: {  	s7 =	sadd.s32 s24, s2;
	s8 =	sadd.s32 s14, s2;
	s9 =	sadd.s32 s16, s2  }
0xd: {  	s10 =	sadd.s32 s17, s2;
	s11 =	sadd.s32 s20, s2;
	s15 =	sadd.s32 s12, s18  }
0xe: {  	s14 =	sadd.s32 s18, s14;
	s25 =	sadd.s32 s18, s16;
	s26 =	sadd.s32 s18, s17  }
0xf: {  	s28 =	sadd.s32 s18, s20;
	s24 =	simm.s32 $0x2;
	s5 =	sshrl.u32 s5, $0x3  }
0x10: {  	s15 =	sshrl.u32 s15, $0x3;
	s21 =	sshrl.u32 s14, $0x3;
	s30 =	sshrl.u32 s26, $0x3  }
0x11: {  	s20 =	sshrl.u32 s28, $0x3;
	s19 =	smax.u32 s19, $0x1;
	s26 =	simm.s32 $0x6800  }
0x12: {  	s13 =	sadd.s32 s5, s0;
	s0 =	sadd.s32 s6, s0;
	s14 =	sadd.s32 s1, s15  }
0x13: {  	s15 =	sadd.s32 s1, s21;
	s17 =	sadd.s32 s1, s30;
	s18 =	sadd.s32 s1, s20  }
0x14: {  	s20 =	simm.s32 $0x1400;
	s5 =	sadd.s32 $0x55000, s13;
	s6 =	sadd.s32 $0x1E00, s0  }
0x15: {  	s12 =	sadd.s32 $0x55280, s13;
	s13 =	sadd.s32 $0x2080, s0;
	s0 =	sshrl.u32 s25, $0x3  }
0x16: {  	v0 =	vimm.f32 $0.0e+00;
	s21 =	simm.s32 $0x2800;
	s25 =	simm.s32 $0x80;
	s16 =	sadd.s32 s1, s0  }
.LBB2_1:
0x17: {  	s0 =	simm.s32 $0x0  }
0x18: {  	[tilespmem:s0], [sflag:$0x1] =	stream.linear.gather [hbm4b:s5+s0], $0x1400, $0x38;
	[tilespmem:$0x1E800] =	vst v63  }
0x19: {  	_ = 	snop  }
0x1a: {  	[tilespmem:s20], [sflag:$0x2] =	stream.linear.gather [hbm4b:s6+s0], $0x1400, $0x38;
	[tilespmem:$0x1E800] =	vst v63  }
0x1b: {  	s1 =	simm.s32 $0x200;
	s0 =	simm.s32 $0x0  }
.LBB2_2:
0x1c: {  	p0 =	sne.s32 s1, $0xFE00;
	[tilespmem:s0+$0x2870] =	vst v0  }
0x1d: {  	[tilespmem:s0+$0x2800] =	vst v0  }
0x1e: {  	[tilespmem:s0+$0x2810] =	vst v0  }
.Ltmp0:
0x1f: {  	[tilespmem:s0+$0x2820] =	vst v0;
	(pc) =	sbr.rel @p0 .LBB2_2-.Ltmp0, $4  }
0x20: {  	[tilespmem:s0+$0x2830] =	vst v0  }
0x21: {  	[tilespmem:s0+$0x2840] =	vst v0  }
0x22: {  	[tilespmem:s0+$0x2850] =	vst v0  }
0x23: {  	[tilespmem:s0+$0x2860] =	vst v0;
	s0 =	sshra.s32 s1, $0x2;
	s1 =	sadd.s32 $0x200, s1  }
0x24: {  	[tilespmem:s0+$0x2870] =	vst v0  }
0x25: {  	[tilespmem:s0+$0x2800] =	vst v0  }
0x26: {  	[tilespmem:s0+$0x2810] =	vst v0  }
0x27: {  	[tilespmem:s0+$0x2820] =	vst v0  }
0x28: {  	[tilespmem:s0+$0x2830] =	vst v0  }
0x29: {  	[tilespmem:s0+$0x2840] =	vst v0  }
0x2a: {  	[tilespmem:s0+$0x2850] =	vst v0  }
0x2b: {  	[tilespmem:s0+$0x2860] =	vst v0  }
0x2c: {  	[spmem:s7] =	stream.linear.scatter [tilespmem:s21], [sflag:$0x3], $0x4000, $0x38;
	[tilespmem:$0x1E800] =	vst v63  }
0x2d: {  	_ =	swait.ge [sflag:s22], $0x4000  }
0x2e: {  	[sflag:s22] =	ssyncset.done $0x0  }
0x2f: {  	[sflag:s22] =	ssyncadd.s32 $0xFFFFC000  }
0x30: {  	[spmem:s8] =	stream.linear.scatter [tilespmem:s21], [sflag:$0x3], $0x4000, $0x38;
	[tilespmem:$0x1E800] =	vst v63  }
0x31: {  	_ =	swait.ge [sflag:s22], $0x4000  }
0x32: {  	[sflag:s22] =	ssyncset.done $0x0  }
0x33: {  	[sflag:s22] =	ssyncadd.s32 $0xFFFFC000  }
0x34: {  	[spmem:s9] =	stream.linear.scatter [tilespmem:s21], [sflag:$0x3], $0x4000, $0x38;
	[tilespmem:$0x1E800] =	vst v63  }
0x35: {  	_ =	swait.ge [sflag:s22], $0x4000  }
0x36: {  	[sflag:s22] =	ssyncset.done $0x0  }
0x37: {  	[sflag:s22] =	ssyncadd.s32 $0xFFFFC000  }
0x38: {  	[spmem:s10] =	stream.linear.scatter [tilespmem:s21], [sflag:$0x3], $0x4000, $0x38;
	[tilespmem:$0x1E800] =	vst v63  }
0x39: {  	_ =	swait.ge [sflag:s22], $0x4000  }
0x3a: {  	[sflag:s22] =	ssyncset.done $0x0  }
0x3b: {  	[sflag:s22] =	ssyncadd.s32 $0xFFFFC000  }
0x3c: {  	[spmem:s11] =	stream.linear.scatter [tilespmem:s21], [sflag:$0x3], $0x4000, $0x38;
	[tilespmem:$0x1E800] =	vst v63  }
0x3d: {  	_ =	swait.ge [sflag:s22], $0x4000  }
0x3e: {  	[sflag:s22] =	ssyncset.done $0x0  }
0x3f: {  	[sflag:s22] =	ssyncadd.s32 $0xFFFFC000  }
0x40: {  	_ =	swait.ge [sflag:s23], $0x1400  }
0x41: {  	[sflag:s23] =	ssyncset.done $0x0  }
0x42: {  	[sflag:s23] =	ssyncadd.s32 $0xFFFFEC00  }
0x43: {  	_ =	swait.ge [sflag:s24], $0x1400  }
0x44: {  	[sflag:s24] =	ssyncset.done $0x0  }
0x45: {  	[sflag:s24] =	ssyncadd.s32 $0xFFFFEC00  }
0x46: {  	s30 =	simm.s32 $0x0;
	[bflag:$0x0] =	sbarrier.arrive $0xFFFF  }
0x47: {  	[tilespmem:s21], [sflag:$0x1] =	stream.indirect.gather [hbm4b:s4+s25], $0x80, s30, s25, $0xb8;
	[tilespmem:$0x1E800] =	vst v63  }
0x48: {  	s1 =	simm.s32 $0x80  }
0x49: {  	[tilespmem:s26], [sflag:$0x2] =	stream.indirect.gather [hbm4b:s4+s25], $0x80, s1, s25, $0xb8;
	[tilespmem:$0x1E800] =	vst v63  }
0x4a: {  	_ =	swait.ge [sflag:s23], $0x4000  }
0x4b: {  	[sflag:s23] =	ssyncset.done $0x0  }
0x4c: {  	s3 =	simm.s32 $0x1400;
	[sflag:s23] =	ssyncadd.s32 $0xFFFFC000  }
0x4d: {  	[spmem:s2] =	stream.indirect.scatter.add.f32 [tilespmem:s21], [sflag:$0x3], $0x80, s3, s25, $0xb8;
	[tilespmem:$0x1E800] =	vst v63  }
0x4e: {  	_ =	swait.ge [sflag:s22], $0x4000  }
0x4f: {  	[sflag:s22] =	ssyncset.done $0x0  }
0x50: {  	s28 =	simm.s32 $0x100;
	[sflag:s22] =	ssyncadd.s32 $0xFFFFC000  }
0x51: {  	[tilespmem:s21], [sflag:$0x1] =	stream.indirect.gather [hbm4b:s4+s25], $0x80, s28, s25, $0xb8;
	[tilespmem:$0x1E800] =	vst v63  }
0x52: {  	_ =	swait.ge [sflag:s24], $0x4000  }
0x53: {  	[sflag:s24] =	ssyncset.done $0x0  }
0x54: {  	s30 =	simm.s32 $0x1480;
	[sflag:s24] =	ssyncadd.s32 $0xFFFFC000  }
0x55: {  	[spmem:s2] =	stream.indirect.scatter.add.f32 [tilespmem:s26], [sflag:$0x3], $0x80, s30, s25, $0xb8;
	[tilespmem:$0x1E800] =	vst v63  }
0x56: {  	_ =	swait.ge [sflag:s22], $0x4000  }
0x57: {  	s0 =	simm.s32 $0x100;
	s1 =	simm.s32 $0x800;
	[sflag:s22] =	ssyncset.done $0x0  }
.LBB2_4:
0x58: {  	s28 =	sadd.s32 $0x80, s0  }
0x59: {  	[sflag:s22] =	ssyncadd.s32 $0xFFFFC000;
	s30 =	smov.u32 s1;
	s3 =	sadd.s32 $0x400, s1  }
0x5a: {  	[tilespmem:s26], [sflag:$0x2] =	stream.indirect.gather [hbm4b:s4+s25], $0x80, s28, s25, $0xb8;
	[tilespmem:$0x1E800] =	vst v63  }
0x5b: {  	p0 =	sne.s32 s1, $0x4800;
	_ =	swait.ge [sflag:s23], $0x4000  }
0x5c: {  	[sflag:s23] =	ssyncset.done $0x0  }
0x5d: {  	s1 =	sadd.s32 $0x1400, s0;
	[sflag:s23] =	ssyncadd.s32 $0xFFFFC000  }
0x5e: {  	[spmem:s2] =	stream.indirect.scatter.add.f32 [tilespmem:s21], [sflag:$0x3], $0x80, s1, s25, $0xb8;
	[tilespmem:$0x1E800] =	vst v63  }
0x5f: {  	_ =	swait.ge [sflag:s22], $0x4000  }
0x60: {  	[sflag:s22] =	ssyncset.done $0x0  }
0x61: {  	s1 =	sadd.s32 $0x100, s0;
	[sflag:s22] =	ssyncadd.s32 $0xFFFFC000  }
0x62: {  	[tilespmem:s21], [sflag:$0x1] =	stream.indirect.gather [hbm4b:s4+s25], $0x80, s1, s25, $0xb8;
	[tilespmem:$0x1E800] =	vst v63  }
0x63: {  	_ =	swait.ge [sflag:s24], $0x4000  }
.Ltmp1:
0x64: {  	[sflag:s24] =	ssyncset.done $0x0;
	(pc) =	sbr.rel @p0 .LBB2_4-.Ltmp1, $4  }
0x65: {  	s0 =	sadd.s32 $0x1480, s0;
	[sflag:s24] =	ssyncadd.s32 $0xFFFFC000  }
0x66: {  	[spmem:s2] =	stream.indirect.scatter.add.f32 [tilespmem:s26], [sflag:$0x3], $0x80, s0, s25, $0xb8;
	[tilespmem:$0x1E800] =	vst v63  }
0x67: {  	_ =	swait.ge [sflag:s22], $0x4000  }
0x68: {  	s1 =	smov.u32 s3;
	s0 =	sshra.s32 s30, $0x2;
	[sflag:s22] =	ssyncset.done $0x0  }
0x69: {  	s1 =	sadd.s32 $0x80, s0;
	[sflag:s22] =	ssyncadd.s32 $0xFFFFC000  }
0x6a: {  	[tilespmem:s26], [sflag:$0x2] =	stream.indirect.gather [hbm4b:s4+s25], $0x80, s1, s25, $0xb8;
	[tilespmem:$0x1E800] =	vst v63  }
0x6b: {  	_ =	swait.ge [sflag:s23], $0x4000  }
0x6c: {  	[sflag:s23] =	ssyncset.done $0x0  }
0x6d: {  	s28 =	sadd.s32 $0x1400, s0;
	[sflag:s23] =	ssyncadd.s32 $0xFFFFC000  }
0x6e: {  	[spmem:s2] =	stream.indirect.scatter.add.f32 [tilespmem:s21], [sflag:$0x3], $0x80, s28, s25, $0xb8;
	[tilespmem:$0x1E800] =	vst v63  }
0x6f: {  	_ =	swait.ge [sflag:s22], $0x4000  }
0x70: {  	[sflag:s22] =	ssyncset.done $0x0  }
0x71: {  	s30 =	sadd.s32 $0x100, s0;
	[sflag:s22] =	ssyncadd.s32 $0xFFFFC000  }
0x72: {  	[tilespmem:s21], [sflag:$0x1] =	stream.indirect.gather [hbm4b:s4+s25], $0x80, s30, s25, $0xb8;
	[tilespmem:$0x1E800] =	vst v63  }
0x73: {  	_ =	swait.ge [sflag:s24], $0x4000  }
0x74: {  	[sflag:s24] =	ssyncset.done $0x0  }
0x75: {  	s1 =	sadd.s32 $0x1480, s0;
	[sflag:s24] =	ssyncadd.s32 $0xFFFFC000  }
0x76: {  	[spmem:s2] =	stream.indirect.scatter.add.f32 [tilespmem:s26], [sflag:$0x3], $0x80, s1, s25, $0xb8;
	[tilespmem:$0x1E800] =	vst v63  }
0x77: {  	_ =	swait.ge [sflag:s22], $0x4000  }
0x78: {  	[sflag:s22] =	ssyncset.done $0x0  }
0x79: {  	s3 =	simm.s32 $0x1380;
	[sflag:s22] =	ssyncadd.s32 $0xFFFFC000  }
0x7a: {  	[tilespmem:s26], [sflag:$0x2] =	stream.indirect.gather [hbm4b:s4+s25], $0x80, s3, s25, $0xb8;
	[tilespmem:$0x1E800] =	vst v63  }
0x7b: {  	_ =	swait.ge [sflag:s23], $0x4000  }
0x7c: {  	[sflag:s23] =	ssyncset.done $0x0  }
0x7d: {  	[sflag:s23] =	ssyncadd.s32 $0xFFFFC000  }
0x7e: {  	[spmem:s2] =	stream.indirect.scatter.add.f32 [tilespmem:s21], [sflag:$0x3], $0x80, s29, s25, $0xb8;
	[tilespmem:$0x1E800] =	vst v63  }
0x7f: {  	_ =	swait.ge [sflag:s22], $0x4000  }
0x80: {  	[sflag:s22] =	ssyncset.done $0x0  }
0x81: {  	[sflag:s22] =	ssyncadd.s32 $0xFFFFC000  }
0x82: {  	_ =	swait.ge [sflag:s24], $0x4000  }
0x83: {  	[sflag:s24] =	ssyncset.done $0x0  }
0x84: {  	s28 =	simm.s32 $0x2780;
	[sflag:s24] =	ssyncadd.s32 $0xFFFFC000  }
0x85: {  	[spmem:s2] =	stream.indirect.scatter.add.f32 [tilespmem:s26], [sflag:$0x3], $0x80, s28, s25, $0xb8;
	[tilespmem:$0x1E800] =	vst v63  }
0x86: {  	_ =	swait.ge [sflag:s22], $0x4000  }
0x87: {  	[sflag:s22] =	ssyncset.done $0x0  }
0x88: {  	s30 =	simm.s32 $0x0;
	[sflag:s22] =	ssyncadd.s32 $0xFFFFC000  }
0x89: {  	[tilespmem:s30], [sflag:$0x3] =	stream.linear.gather [hbm4b:s12+s30], $0x1380, $0x38;
	[tilespmem:$0x1E800] =	vst v63  }
0x8a: {  	_ =	swait.ge [sflag:s22], $0x1380  }
0x8b: {  	[sflag:s22] =	ssyncset.done $0x0  }
0x8c: {  	[sflag:s22] =	ssyncadd.s32 $0xFFFFEC80  }
0x8d: {  	[tilespmem:s20], [sflag:$0x3] =	stream.linear.gather [hbm4b:s13+s30], $0x1380, $0x38;
	[tilespmem:$0x1E800] =	vst v63  }
0x8e: {  	_ =	swait.ge [sflag:s22], $0x1380  }
0x8f: {  	[sflag:s22] =	ssyncset.done $0x0  }
0x90: {  	[sflag:s22] =	ssyncadd.s32 $0xFFFFEC80  }
0x91: {  	[tilespmem:s21], [sflag:$0x1] =	stream.indirect.gather [hbm4b:s4+s25], $0x80, s30, s25, $0xb8;
	[tilespmem:$0x1E800] =	vst v63  }
0x92: {  	s1 =	simm.s32 $0x80  }
0x93: {  	[tilespmem:s26], [sflag:$0x2] =	stream.indirect.gather [hbm4b:s4+s25], $0x80, s1, s25, $0xb8;
	[tilespmem:$0x1E800] =	vst v63  }
0x94: {  	_ =	swait.ge [sflag:s23], $0x4000  }
0x95: {  	[sflag:s23] =	ssyncset.done $0x0  }
0x96: {  	s3 =	simm.s32 $0x1400;
	[sflag:s23] =	ssyncadd.s32 $0xFFFFC000  }
0x97: {  	[spmem:s2] =	stream.indirect.scatter.add.f32 [tilespmem:s21], [sflag:$0x3], $0x80, s3, s25, $0xb8;
	[tilespmem:$0x1E800] =	vst v63  }
0x98: {  	_ =	swait.ge [sflag:s22], $0x4000  }
0x99: {  	[sflag:s22] =	ssyncset.done $0x0  }
0x9a: {  	s28 =	simm.s32 $0x100;
	[sflag:s22] =	ssyncadd.s32 $0xFFFFC000  }
0x9b: {  	[tilespmem:s21], [sflag:$0x1] =	stream.indirect.gather [hbm4b:s4+s25], $0x80, s28, s25, $0xb8;
	[tilespmem:$0x1E800] =	vst v63  }
0x9c: {  	_ =	swait.ge [sflag:s24], $0x4000  }
0x9d: {  	[sflag:s24] =	ssyncset.done $0x0  }
0x9e: {  	s30 =	simm.s32 $0x1480;
	[sflag:s24] =	ssyncadd.s32 $0xFFFFC000  }
0x9f: {  	[spmem:s2] =	stream.indirect.scatter.add.f32 [tilespmem:s26], [sflag:$0x3], $0x80, s30, s25, $0xb8;
	[tilespmem:$0x1E800] =	vst v63  }
0xa0: {  	_ =	swait.ge [sflag:s22], $0x4000  }
0xa1: {  	s0 =	simm.s32 $0x100;
	s1 =	simm.s32 $0x800;
	[sflag:s22] =	ssyncset.done $0x0  }
.LBB2_6:
0xa2: {  	s3 =	sadd.s32 $0x80, s0  }
0xa3: {  	[sflag:s22] =	ssyncadd.s32 $0xFFFFC000;
	s28 =	smov.u32 s1;
	s30 =	sadd.s32 $0x400, s1  }
0xa4: {  	[tilespmem:s26], [sflag:$0x2] =	stream.indirect.gather [hbm4b:s4+s25], $0x80, s3, s25, $0xb8;
	[tilespmem:$0x1E800] =	vst v63  }
0xa5: {  	p0 =	sne.s32 s1, $0x4800;
	_ =	swait.ge [sflag:s23], $0x4000  }
0xa6: {  	[sflag:s23] =	ssyncset.done $0x0  }
0xa7: {  	s1 =	sadd.s32 $0x1400, s0;
	[sflag:s23] =	ssyncadd.s32 $0xFFFFC000  }
0xa8: {  	[spmem:s2] =	stream.indirect.scatter.add.f32 [tilespmem:s21], [sflag:$0x3], $0x80, s1, s25, $0xb8;
	[tilespmem:$0x1E800] =	vst v63  }
0xa9: {  	_ =	swait.ge [sflag:s22], $0x4000  }
0xaa: {  	[sflag:s22] =	ssyncset.done $0x0  }
0xab: {  	s1 =	sadd.s32 $0x100, s0;
	[sflag:s22] =	ssyncadd.s32 $0xFFFFC000  }
0xac: {  	[tilespmem:s21], [sflag:$0x1] =	stream.indirect.gather [hbm4b:s4+s25], $0x80, s1, s25, $0xb8;
	[tilespmem:$0x1E800] =	vst v63  }
0xad: {  	_ =	swait.ge [sflag:s24], $0x4000  }
.Ltmp2:
0xae: {  	[sflag:s24] =	ssyncset.done $0x0;
	(pc) =	sbr.rel @p0 .LBB2_6-.Ltmp2, $4  }
0xaf: {  	s0 =	sadd.s32 $0x1480, s0;
	[sflag:s24] =	ssyncadd.s32 $0xFFFFC000  }
0xb0: {  	[spmem:s2] =	stream.indirect.scatter.add.f32 [tilespmem:s26], [sflag:$0x3], $0x80, s0, s25, $0xb8;
	[tilespmem:$0x1E800] =	vst v63  }
0xb1: {  	_ =	swait.ge [sflag:s22], $0x4000  }
0xb2: {  	s1 =	smov.u32 s30;
	s0 =	sshra.s32 s28, $0x2;
	[sflag:s22] =	ssyncset.done $0x0  }
0xb3: {  	s1 =	sadd.s32 $0x80, s0;
	[sflag:s22] =	ssyncadd.s32 $0xFFFFC000  }
0xb4: {  	[tilespmem:s26], [sflag:$0x2] =	stream.indirect.gather [hbm4b:s4+s25], $0x80, s1, s25, $0xb8;
	[tilespmem:$0x1E800] =	vst v63  }
0xb5: {  	_ =	swait.ge [sflag:s23], $0x4000  }
0xb6: {  	[sflag:s23] =	ssyncset.done $0x0  }
0xb7: {  	s28 =	sadd.s32 $0x1400, s0;
	[sflag:s23] =	ssyncadd.s32 $0xFFFFC000  }
0xb8: {  	[spmem:s2] =	stream.indirect.scatter.add.f32 [tilespmem:s21], [sflag:$0x3], $0x80, s28, s25, $0xb8;
	[tilespmem:$0x1E800] =	vst v63  }
0xb9: {  	_ =	swait.ge [sflag:s22], $0x4000  }
0xba: {  	[sflag:s22] =	ssyncset.done $0x0  }
0xbb: {  	s30 =	sadd.s32 $0x100, s0;
	[sflag:s22] =	ssyncadd.s32 $0xFFFFC000  }
0xbc: {  	[tilespmem:s21], [sflag:$0x1] =	stream.indirect.gather [hbm4b:s4+s25], $0x80, s30, s25, $0xb8;
	[tilespmem:$0x1E800] =	vst v63  }
0xbd: {  	_ =	swait.ge [sflag:s24], $0x4000  }
0xbe: {  	[sflag:s24] =	ssyncset.done $0x0  }
0xbf: {  	s1 =	sadd.s32 $0x1480, s0;
	[sflag:s24] =	ssyncadd.s32 $0xFFFFC000  }
0xc0: {  	[spmem:s2] =	stream.indirect.scatter.add.f32 [tilespmem:s26], [sflag:$0x3], $0x80, s1, s25, $0xb8;
	[tilespmem:$0x1E800] =	vst v63  }
0xc1: {  	_ =	swait.ge [sflag:s22], $0x4000  }
0xc2: {  	[sflag:s22] =	ssyncset.done $0x0  }
0xc3: {  	[sflag:s22] =	ssyncadd.s32 $0xFFFFC000  }
0xc4: {  	_ =	swait.ge [sflag:s23], $0x4000  }
0xc5: {  	[sflag:s23] =	ssyncset.done $0x0  }
0xc6: {  	[sflag:s23] =	ssyncadd.s32 $0xFFFFC000  }
0xc7: {  	[spmem:s2] =	stream.indirect.scatter.add.f32 [tilespmem:s21], [sflag:$0x3], $0x80, s29, s25, $0xb8;
	[tilespmem:$0x1E800] =	vst v63  }
0xc8: {  	_ =	swait.ge [sflag:s22], $0x4000  }
0xc9: {  	s3 =	stileid.u32;
	[sflag:s22] =	ssyncset.done $0x0  }
0xca: {  	s0 =	sshll.u32 s3, $0x6;
	[sflag:s22] =	ssyncadd.s32 $0xFFFFC000  }
0xcb: {  	s0 =	sor.u32 $0x1C03, s0;
	s28 =	sshrl.u32 s7, $0x3;
	[bflag:$0x0] =	sbarrier.arrive $0xFFFF  }
0xcc: {  	[hbm:s14], [sflag:s0] =	dma.local [spmem:s28], $0x800  }
0xcd: {  	_ =	swait.ge [sflag:s22], $0x800  }
0xce: {  	[sflag:s22] =	ssyncset.done $0x0  }
0xcf: {  	s30 =	sshrl.u32 s8, $0x3;
	[sflag:s22] =	ssyncadd.s32 $0xFFFFF800  }
0xd0: {  	[hbm:s15], [sflag:s0] =	dma.local [spmem:s30], $0x800  }
0xd1: {  	_ =	swait.ge [sflag:s22], $0x800  }
0xd2: {  	[sflag:s22] =	ssyncset.done $0x0  }
0xd3: {  	s3 =	sshrl.u32 s9, $0x3;
	[sflag:s22] =	ssyncadd.s32 $0xFFFFF800  }
0xd4: {  	[hbm:s16], [sflag:s0] =	dma.local [spmem:s3], $0x800  }
0xd5: {  	_ =	swait.ge [sflag:s22], $0x800  }
0xd6: {  	[sflag:s22] =	ssyncset.done $0x0  }
0xd7: {  	s28 =	sshrl.u32 s10, $0x3;
	[sflag:s22] =	ssyncadd.s32 $0xFFFFF800  }
0xd8: {  	[hbm:s17], [sflag:s0] =	dma.local [spmem:s28], $0x800  }
0xd9: {  	s31 =	sadd.s32 $0x1, s31;
	_ =	swait.ge [sflag:s22], $0x800  }
0xda: {  	p0 =	sne.s32 s31, s19;
	[sflag:s22] =	ssyncset.done $0x0  }
.Ltmp3:
0xdb: {  	s30 =	sshrl.u32 s11, $0x3;
	[sflag:s22] =	ssyncadd.s32 $0xFFFFF800;
	(pc) =	sbr.rel @p0 .LBB2_1-.Ltmp3, $4  }
0xdc: {  	[hbm:s18], [sflag:s0] =	dma.local [spmem:s30], $0x800  }
0xdd: {  	_ =	swait.ge [sflag:s22], $0x800  }
0xde: {  	[sflag:s22] =	ssyncset.done $0x0  }
0xdf: {  	[sflag:s22] =	ssyncadd.s32 $0xFFFFF800  }
0xe0: {  	_ =	sfence.sel $0x180000  }
0xe1: {  	[bflag:$0x0] =	sbarrier.arrive $0xFFFF  }
0xe2: {  	_ =	strace $0x90000047  }
0xe3: {  	s0 =	stileid.u32;
	[bflag:$0x2] =	sbarrier.arrive $0xFFFF  }
0xe4: {  	p0 =	sne.s32 s0, $0x0;
	s0 =	rddreg [dreg:$0x3]  }
0xe5: {  	s0 =	sadd.s32 @!p0 $0x100000, s0  }
0xe6: {  	[sflag:s0] =	ssyncadd.tile.s32 @!p0 $0x1;
	_ =	shalt  }
.Lfunc_end2:
_tile_overlayer_lowered:
.L_overlay_start_2:
0xe7: {  	(tag) =	ssettag $0x2  }
0xe8: {  	s0 =	rddreg [dreg:$0x0];
	s2 =	stileid.u32  }
0xe9: {  	s1 =	rddreg [dreg:$0x1];
	p0 =	sne.s32 s2, $0x0  }
0xea: {  	s3 =	rddreg [dreg:$0x2];
	[bflag:$0x3] =	sbarrier.arrive $0xFFFF;
	s2 =	simm.s32 @!p0 $0x1C03  }
0xeb: {  	[timem:s3], [sflag:s2] =	dma.local @!p0 [hbm:s0], s1  }
0xec: {  	s0 =	simm.s32 @!p0 $0x3  }
0xed: {  	_ =	swait.ge @!p0 [sflag:s0], s1  }
0xee: {  	s1 =	ssub.s32 @!p0 $0x0, s1;
	[sflag:s0] =	ssyncset.done @!p0 $0x0  }
0xef: {  	[sflag:s0] =	ssyncadd.s32 @!p0 s1  }
0xf0: {  	[bflag:$0x3] =	sbarrier.arrive $0xFFFF  }
0xf1: {  	_ =	shalt  }

</sc_bundles>
